<compile_context>
chip_gen: v7x
topology: tpu7x:2x2x1
jax: 0.10.2.dev20260603
libtpu: 0.0.44.dev20260713+nightly
codegen_flags: <defaults>
</compile_context>

<pallas_src>
import functools

import jax
import jax.numpy as jnp
from jax import lax
from jax.experimental import pallas as pl
from jax.experimental.pallas import tpu as pltpu
from jax.experimental.pallas import tpu_sc as plsc

_NW = 32
_B = 1024
_ROWS = _B // 128
_GROUPS = 128 // 16
_WLIM = 5000.0


def _edge_weights_sc(fields, rows2d, cols2d, n_chunks):
    nr = rows2d.shape[0]
    per_r = n_chunks * _ROWS
    mesh = plsc.VectorSubcoreMesh(core_axis_name="c", subcore_axis_name="s")

    @functools.partial(
        pl.kernel,
        mesh=mesh,
        out_type=jax.ShapeDtypeStruct((nr, 128), jnp.float32),
        scratch_types=(
            [pltpu.VMEM((_ROWS, 128), jnp.int32)] * 2
            + [pltpu.VMEM((_ROWS, 128), jnp.float32)] * 11
            + [pltpu.SemaphoreType.DMA]
        ),
    )
    def kern(c0_h, c1_h, c2_h, c3_h, c4_h, px_h, py_h, dmp_h, rows_h, cols_h,
             out_h,
             ridx, cidx, c0_v, c1_v, c2_v, c3_v, c4_v,
             pxr_v, pyr_v, pxc_v, pyc_v, dmp_v, out_v, sem):
        wid = lax.axis_index("s") * 2 + lax.axis_index("c")

        def chunk_body(c, carry):
            rb = pl.multiple_of(wid * per_r + c * _ROWS, _ROWS)
            pltpu.sync_copy(rows_h.at[pl.ds(rb, _ROWS)], ridx)
            pltpu.sync_copy(cols_h.at[pl.ds(rb, _ROWS)], cidx)
            def dma_body(j, carry2):
                descs = [
                    pltpu.async_copy(c0_h.at[ridx.at[j]], c0_v.at[j], sem),
                    pltpu.async_copy(c1_h.at[ridx.at[j]], c1_v.at[j], sem),
                    pltpu.async_copy(c2_h.at[ridx.at[j]], c2_v.at[j], sem),
                    pltpu.async_copy(c3_h.at[ridx.at[j]], c3_v.at[j], sem),
                    pltpu.async_copy(c4_h.at[ridx.at[j]], c4_v.at[j], sem),
                    pltpu.async_copy(px_h.at[ridx.at[j]], pxr_v.at[j], sem),
                    pltpu.async_copy(py_h.at[ridx.at[j]], pyr_v.at[j], sem),
                    pltpu.async_copy(px_h.at[cidx.at[j]], pxc_v.at[j], sem),
                    pltpu.async_copy(py_h.at[cidx.at[j]], pyc_v.at[j], sem),
                    pltpu.async_copy(dmp_h.at[ridx.at[j]], dmp_v.at[j], sem),
                ]
                for d in descs:
                    d.wait()
                return carry2

            lax.fori_loop(0, _ROWS, dma_body, 0)

            def row_body(j, carry2):
                def group_body(g, carry3):
                    s = pl.ds(g * 16, 16)
                    dx = pxc_v[j, s] - pxr_v[j, s]
                    dy = pyc_v[j, s] - pyr_v[j, s]
                    w = (c0_v[j, s] * dx + c1_v[j, s] * dy
                         + c2_v[j, s] * (dx * dy)
                         + c3_v[j, s] * (dx * dx) + c4_v[j, s] * (dy * dy))
                    w = w * dmp_v[j, s]
                    w = jnp.minimum(jnp.maximum(w, -_WLIM), _WLIM)
                    out_v[j, s] = w
                    return carry3

                lax.fori_loop(0, _GROUPS, group_body, 0)
                return carry2

            lax.fori_loop(0, _ROWS, row_body, 0)
            pltpu.sync_copy(out_v, out_h.at[pl.ds(rb, _ROWS)])
            return carry

        lax.fori_loop(0, n_chunks, chunk_body, 0)

    return kern(*fields, rows2d, cols2d)


def kernel(pos, edge_index):
    row = edge_index[0]
    col = edge_index[1]
    n = pos.shape[0]
    e = row.shape[0]

    diff = pos[col] - pos[row]
    x = diff[:, 0:1]
    y = diff[:, 1:2]
    h = jnp.concatenate([x, y, x * y, x * x, y * y], axis=-1)
    m_edge = h[:, :, None] * h[:, None, :]
    m_node = jax.ops.segment_sum(m_edge, row, num_segments=n)
    m_node = m_node + jnp.eye(5, dtype=jnp.float32)[None, :, :] * 1e-07
    m_inv = jnp.linalg.inv(m_node)
    r3 = m_inv[:, 3, :].astype(jnp.bfloat16).astype(jnp.float32)
    r4 = m_inv[:, 4, :].astype(jnp.bfloat16).astype(jnp.float32)
    coeff = 2.0 * (r3 + r4)

    deg = jax.ops.segment_sum(jnp.ones_like(row, dtype=jnp.float32), row,
                              num_segments=n)
    damping = jnp.clip((deg - 2.0) / 3.0, 0.0, 1.0)

    chunk_elems = _NW * _B
    ep = ((e + chunk_elems - 1) // chunk_elems) * chunk_elems
    pad = ep - e
    if pad:
        fill = (jnp.arange(pad, dtype=jnp.int32) % n)
        rows_p = jnp.concatenate([row, fill])
        cols_p = jnp.concatenate([col, fill])
    else:
        rows_p, cols_p = row, col
    n_chunks = ep // chunk_elems

    rows2d = rows_p.reshape(ep // 128, 128)
    cols2d = cols_p.reshape(ep // 128, 128)
    fields = [coeff[:, 0], coeff[:, 1], coeff[:, 2], coeff[:, 3],
              coeff[:, 4], pos[:, 0], pos[:, 1], damping]
    w = _edge_weights_sc(fields, rows2d, cols2d, n_chunks)
    return w.reshape(ep)[:e]

# --- scband reference (transcript-rebuilt; emitter-appended) ---
"""Pipeline reference for scband-solve-weight-lst2d-88510686036693 (READ-ONLY COPY).

The authoritative reference and input builder live on the scoring server;
editing this copy changes nothing except your own understanding.
"""

import jax, jax.numpy as jnp
import numpy as np

N_NODES = 100000
N_EDGES = 1600000
WEIGHT_LIMIT = 5000.0
MIN_NEIGHBORS = 5


def setup_inputs(seed: int = 0) -> dict:
    key = jax.random.key(seed)
    k1, k2 = jax.random.split(key)
    pos = jax.random.normal(k1, (N_NODES, 2), dtype=jnp.float32)
    edge_index = jax.random.randint(k2, (2, N_EDGES), 0, N_NODES, dtype=jnp.int32)
    return {"pos": pos, "edge_index": edge_index}


def _polynomial_basis(diff):
    x = diff[:, 0:1]
    y = diff[:, 1:2]
    return jnp.concatenate([x, y, x * y, x * x, y * y], axis=-1)


def reference(pos, edge_index):
    row = edge_index[0]
    col = edge_index[1]
    N = pos.shape[0]
    # MLS weight computation (use_2hop_extension=False -> original edges + damping fallback)
    diff = jax.lax.stop_gradient(pos[col] - pos[row])  # .detach() in torch
    H = _polynomial_basis(diff).astype(jnp.float32)  # [E, 5]
    # M_edge = H H^T outer products, scatter-added per source node
    M_edge = H[:, :, None] * H[:, None, :]  # [E, 5, 5]
    M_node = jax.ops.segment_sum(M_edge, row, num_segments=N)  # [N, 5, 5]
    M_node = M_node + jnp.eye(5, dtype=jnp.float32)[None, :, :] * 1e-07
    M_inv = jnp.linalg.inv(M_node)  # [N, 5, 5]
    # Laplacian basis: d2/dx2 + d2/dy2 of [x, y, xy, x^2, y^2] = [0,0,0,2,2]
    lap = jnp.zeros((N, 5), dtype=jnp.float32).at[:, 3].set(2.0).at[:, 4].set(2.0)
    coeff = jnp.einsum('ni,nij->nj', lap, M_inv)  # [N, 5]
    # per-edge MLS Laplacian weight
    weights = jnp.sum(coeff[row] * H, axis=-1)  # [E]
    # neighbor-count damping fallback
    deg = jax.ops.segment_sum(jnp.ones_like(row, dtype=jnp.float32), row, num_segments=N)
    damping = jnp.clip((deg - 2.0) / max(MIN_NEIGHBORS - 2.0, 1.0), 0.0, 1.0)
    weights = weights * damping[row]
    weights = jnp.clip(weights, -WEIGHT_LIMIT, WEIGHT_LIMIT)
    return weights

if __name__ == "__main__":
    import jax
    _d = setup_inputs()
    print(jax.jit(kernel)(*tuple(_d.values())))

</pallas_src>

<mosaic_0001>
#map = affine_map<(d0, d1) -> (0)>
#map1 = affine_map<(d0, d1) -> (0, 0)>
module attributes {stable_mosaic.version = 14 : i64} {
  func.func @kern(%arg0: i32, %arg1: i32, %arg2: memref<100000xf32, #tpu.memory_space<hbm>>, %arg3: memref<100000xf32, #tpu.memory_space<hbm>>, %arg4: memref<100000xf32, #tpu.memory_space<hbm>>, %arg5: memref<100000xf32, #tpu.memory_space<hbm>>, %arg6: memref<100000xf32, #tpu.memory_space<hbm>>, %arg7: memref<100000xf32, #tpu.memory_space<hbm>>, %arg8: memref<100000xf32, #tpu.memory_space<hbm>>, %arg9: memref<100000xf32, #tpu.memory_space<hbm>>, %arg10: memref<12544x128xi32, #tpu.memory_space<hbm>>, %arg11: memref<12544x128xi32, #tpu.memory_space<hbm>>, %arg12: memref<12544x128xf32, #tpu.memory_space<hbm>>, %arg13: memref<8x128xi32, #tpu.memory_space<vmem>>, %arg14: memref<8x128xi32, #tpu.memory_space<vmem>>, %arg15: memref<8x128xf32, #tpu.memory_space<vmem>>, %arg16: memref<8x128xf32, #tpu.memory_space<vmem>>, %arg17: memref<8x128xf32, #tpu.memory_space<vmem>>, %arg18: memref<8x128xf32, #tpu.memory_space<vmem>>, %arg19: memref<8x128xf32, #tpu.memory_space<vmem>>, %arg20: memref<8x128xf32, #tpu.memory_space<vmem>>, %arg21: memref<8x128xf32, #tpu.memory_space<vmem>>, %arg22: memref<8x128xf32, #tpu.memory_space<vmem>>, %arg23: memref<8x128xf32, #tpu.memory_space<vmem>>, %arg24: memref<8x128xf32, #tpu.memory_space<vmem>>, %arg25: memref<8x128xf32, #tpu.memory_space<vmem>>, %arg26: memref<!tpu.dma_semaphore, #tpu.memory_space<semaphore_mem>>) attributes {dimension_semantics = [#tpu.dimension_semantics<core_parallel>, #tpu.dimension_semantics<subcore_parallel>], iteration_bounds = array<i64: 2, 16>, scalar_prefetch = 0 : i64, scratch_operands = 14 : i64, tpu.core_type = #tpu.core_type<sc_vector_subcore>, window_params = [{transform_indices = #map}, {transform_indices = #map}, {transform_indices = #map}, {transform_indices = #map}, {transform_indices = #map}, {transform_indices = #map}, {transform_indices = #map}, {transform_indices = #map}, {transform_indices = #map1}, {transform_indices = #map1}, {transform_indices = #map1}]} {
    %mul3A = arith.constant 2 : i32
    %mul3A_0 = arith.muli %arg1, %mul3A : i32
    %add3A = arith.addi %mul3A_0, %arg0 : i32
    %scan3A = arith.constant 0 : i32
    %scan3A_1 = arith.constant 0 : i32
    %scan3A_2 = arith.constant 49 : i32
    %scan3A_3 = arith.addi %scan3A_1, %scan3A_2 : i32
    %scan3A_4 = arith.constant 1 : i32
    scf.for %scan3A_6 = %scan3A_1 to %scan3A_3 step %scan3A_4  : i32 {
      %mul3A_7 = arith.constant 392 : i32
      %mul3A_8 = arith.muli %add3A, %mul3A_7 : i32
      %mul3A_9 = arith.constant 8 : i32
      %mul3A_10 = arith.muli %scan3A_6, %mul3A_9 : i32
      %add3A_11 = arith.addi %mul3A_8, %mul3A_10 : i32
      %multiple_of3A = tpu.assume_multiple %add3A_11, 8 : i32
      "tpu.region"() ({
        %run_scoped3A = tpu.sem_alloc : memref<!tpu.dma_semaphore, #tpu.memory_space<semaphore_mem>>
        %dma_start3A = arith.constant 0 : i32
        %dma_start3A_24 = tpu.memref_slice %arg10[%multiple_of3A, %dma_start3A] : memref<12544x128xi32, #tpu.memory_space<hbm>> -> memref<8x128xi32, #tpu.memory_space<hbm>>
        %dma_start3A_25 = arith.constant 0 : i32
        %dma_start3A_26 = tpu.memref_slice %arg10[%multiple_of3A, %dma_start3A_25] : memref<12544x128xi32, #tpu.memory_space<hbm>> -> memref<8x128xi32, #tpu.memory_space<hbm>>
        tpu.enqueue_dma source(%dma_start3A_26 : memref<8x128xi32, #tpu.memory_space<hbm>>) target(%arg13 : memref<8x128xi32, #tpu.memory_space<vmem>>) target_semaphore(%run_scoped3A : memref<!tpu.dma_semaphore, #tpu.memory_space<semaphore_mem>>)
        %dma_wait3A = arith.constant 0 : i32
        %dma_wait3A_27 = tpu.memref_slice %arg10[%multiple_of3A, %dma_wait3A] : memref<12544x128xi32, #tpu.memory_space<hbm>> -> memref<8x128xi32, #tpu.memory_space<hbm>>
        %dma_wait3A_28 = arith.constant 0 : i32
        %dma_wait3A_29 = tpu.memref_slice %arg10[%multiple_of3A, %dma_wait3A_28] : memref<12544x128xi32, #tpu.memory_space<hbm>> -> memref<8x128xi32, #tpu.memory_space<hbm>>
        tpu.wait_dma2 semaphore(%run_scoped3A : memref<!tpu.dma_semaphore, #tpu.memory_space<semaphore_mem>>) src(%dma_wait3A_29 : memref<8x128xi32, #tpu.memory_space<hbm>>) dst(%arg13 : memref<8x128xi32, #tpu.memory_space<vmem>>)
        tpu.yield
      }) : () -> ()
      "tpu.region"() ({
        %run_scoped3A = tpu.sem_alloc : memref<!tpu.dma_semaphore, #tpu.memory_space<semaphore_mem>>
        %dma_start3A = arith.constant 0 : i32
        %dma_start3A_24 = tpu.memref_slice %arg11[%multiple_of3A, %dma_start3A] : memref<12544x128xi32, #tpu.memory_space<hbm>> -> memref<8x128xi32, #tpu.memory_space<hbm>>
        %dma_start3A_25 = arith.constant 0 : i32
        %dma_start3A_26 = tpu.memref_slice %arg11[%multiple_of3A, %dma_start3A_25] : memref<12544x128xi32, #tpu.memory_space<hbm>> -> memref<8x128xi32, #tpu.memory_space<hbm>>
        tpu.enqueue_dma source(%dma_start3A_26 : memref<8x128xi32, #tpu.memory_space<hbm>>) target(%arg14 : memref<8x128xi32, #tpu.memory_space<vmem>>) target_semaphore(%run_scoped3A : memref<!tpu.dma_semaphore, #tpu.memory_space<semaphore_mem>>)
        %dma_wait3A = arith.constant 0 : i32
        %dma_wait3A_27 = tpu.memref_slice %arg11[%multiple_of3A, %dma_wait3A] : memref<12544x128xi32, #tpu.memory_space<hbm>> -> memref<8x128xi32, #tpu.memory_space<hbm>>
        %dma_wait3A_28 = arith.constant 0 : i32
        %dma_wait3A_29 = tpu.memref_slice %arg11[%multiple_of3A, %dma_wait3A_28] : memref<12544x128xi32, #tpu.memory_space<hbm>> -> memref<8x128xi32, #tpu.memory_space<hbm>>
        tpu.wait_dma2 semaphore(%run_scoped3A : memref<!tpu.dma_semaphore, #tpu.memory_space<semaphore_mem>>) src(%dma_wait3A_29 : memref<8x128xi32, #tpu.memory_space<hbm>>) dst(%arg14 : memref<8x128xi32, #tpu.memory_space<vmem>>)
        tpu.yield
      }) : () -> ()
      %scan3A_12 = arith.constant 0 : i32
      %scan3A_13 = arith.constant 0 : i32
      %scan3A_14 = arith.constant 8 : i32
      %scan3A_15 = arith.addi %scan3A_13, %scan3A_14 : i32
      %scan3A_16 = arith.constant 1 : i32
      scf.for %scan3A_24 = %scan3A_13 to %scan3A_15 step %scan3A_16  : i32 {
        %dma_start3A = arith.constant 0 : i32
        %dma_start3A_25 = tpu.memref_slice %arg15[%scan3A_24, %dma_start3A] : memref<8x128xf32, #tpu.memory_space<vmem>> -> memref<1x128xf32, #tpu.memory_space<vmem>>
        %dma_start3A_26 = tpu.memref_squeeze %dma_start3A_25 : memref<1x128xf32, #tpu.memory_space<vmem>> -> memref<128xf32, #tpu.memory_space<vmem>>
        %dma_start3A_27 = arith.constant 0 : i32
        %dma_start3A_28 = tpu.memref_slice %arg13[%scan3A_24, %dma_start3A_27] : memref<8x128xi32, #tpu.memory_space<vmem>> -> memref<1x128xi32, #tpu.memory_space<vmem>>
        %dma_start3A_29 = tpu.memref_squeeze %dma_start3A_28 : memref<1x128xi32, #tpu.memory_space<vmem>> -> memref<128xi32, #tpu.memory_space<vmem>>
        %dma_start3A_30 = arith.constant 0 : i32
        %dma_start3A_31 = tpu.memref_slice %arg2[%dma_start3A_30] : memref<100000xf32, #tpu.memory_space<hbm>> -> memref<100000xf32, #tpu.memory_space<hbm>>
        tpu.enqueue_indirect_dma source(%dma_start3A_31 : memref<100000xf32, #tpu.memory_space<hbm>>) target(%dma_start3A_26 : memref<128xf32, #tpu.memory_space<vmem>>) offsets(%dma_start3A_29 : memref<128xi32, #tpu.memory_space<vmem>>) semaphore(%arg26 : memref<!tpu.dma_semaphore, #tpu.memory_space<semaphore_mem>>)
        %dma_start3A_32 = arith.constant 0 : i32
        %dma_start3A_33 = tpu.memref_slice %arg16[%scan3A_24, %dma_start3A_32] : memref<8x128xf32, #tpu.memory_space<vmem>> -> memref<1x128xf32, #tpu.memory_space<vmem>>
        %dma_start3A_34 = tpu.memref_squeeze %dma_start3A_33 : memref<1x128xf32, #tpu.memory_space<vmem>> -> memref<128xf32, #tpu.memory_space<vmem>>
        %dma_start3A_35 = arith.constant 0 : i32
        %dma_start3A_36 = tpu.memref_slice %arg13[%scan3A_24, %dma_start3A_35] : memref<8x128xi32, #tpu.memory_space<vmem>> -> memref<1x128xi32, #tpu.memory_space<vmem>>
        %dma_start3A_37 = tpu.memref_squeeze %dma_start3A_36 : memref<1x128xi32, #tpu.memory_space<vmem>> -> memref<128xi32, #tpu.memory_space<vmem>>
        %dma_start3A_38 = arith.constant 0 : i32
        %dma_start3A_39 = tpu.memref_slice %arg3[%dma_start3A_38] : memref<100000xf32, #tpu.memory_space<hbm>> -> memref<100000xf32, #tpu.memory_space<hbm>>
        tpu.enqueue_indirect_dma source(%dma_start3A_39 : memref<100000xf32, #tpu.memory_space<hbm>>) target(%dma_start3A_34 : memref<128xf32, #tpu.memory_space<vmem>>) offsets(%dma_start3A_37 : memref<128xi32, #tpu.memory_space<vmem>>) semaphore(%arg26 : memref<!tpu.dma_semaphore, #tpu.memory_space<semaphore_mem>>)
        %dma_start3A_40 = arith.constant 0 : i32
        %dma_start3A_41 = tpu.memref_slice %arg17[%scan3A_24, %dma_start3A_40] : memref<8x128xf32, #tpu.memory_space<vmem>> -> memref<1x128xf32, #tpu.memory_space<vmem>>
        %dma_start3A_42 = tpu.memref_squeeze %dma_start3A_41 : memref<1x128xf32, #tpu.memory_space<vmem>> -> memref<128xf32, #tpu.memory_space<vmem>>
        %dma_start3A_43 = arith.constant 0 : i32
        %dma_start3A_44 = tpu.memref_slice %arg13[%scan3A_24, %dma_start3A_43] : memref<8x128xi32, #tpu.memory_space<vmem>> -> memref<1x128xi32, #tpu.memory_space<vmem>>
        %dma_start3A_45 = tpu.memref_squeeze %dma_start3A_44 : memref<1x128xi32, #tpu.memory_space<vmem>> -> memref<128xi32, #tpu.memory_space<vmem>>
        %dma_start3A_46 = arith.constant 0 : i32
        %dma_start3A_47 = tpu.memref_slice %arg4[%dma_start3A_46] : memref<100000xf32, #tpu.memory_space<hbm>> -> memref<100000xf32, #tpu.memory_space<hbm>>
        tpu.enqueue_indirect_dma source(%dma_start3A_47 : memref<100000xf32, #tpu.memory_space<hbm>>) target(%dma_start3A_42 : memref<128xf32, #tpu.memory_space<vmem>>) offsets(%dma_start3A_45 : memref<128xi32, #tpu.memory_space<vmem>>) semaphore(%arg26 : memref<!tpu.dma_semaphore, #tpu.memory_space<semaphore_mem>>)
        %dma_start3A_48 = arith.constant 0 : i32
        %dma_start3A_49 = tpu.memref_slice %arg18[%scan3A_24, %dma_start3A_48] : memref<8x128xf32, #tpu.memory_space<vmem>> -> memref<1x128xf32, #tpu.memory_space<vmem>>
        %dma_start3A_50 = tpu.memref_squeeze %dma_start3A_49 : memref<1x128xf32, #tpu.memory_space<vmem>> -> memref<128xf32, #tpu.memory_space<vmem>>
        %dma_start3A_51 = arith.constant 0 : i32
        %dma_start3A_52 = tpu.memref_slice %arg13[%scan3A_24, %dma_start3A_51] : memref<8x128xi32, #tpu.memory_space<vmem>> -> memref<1x128xi32, #tpu.memory_space<vmem>>
        %dma_start3A_53 = tpu.memref_squeeze %dma_start3A_52 : memref<1x128xi32, #tpu.memory_space<vmem>> -> memref<128xi32, #tpu.memory_space<vmem>>
        %dma_start3A_54 = arith.constant 0 : i32
        %dma_start3A_55 = tpu.memref_slice %arg5[%dma_start3A_54] : memref<100000xf32, #tpu.memory_space<hbm>> -> memref<100000xf32, #tpu.memory_space<hbm>>
        tpu.enqueue_indirect_dma source(%dma_start3A_55 : memref<100000xf32, #tpu.memory_space<hbm>>) target(%dma_start3A_50 : memref<128xf32, #tpu.memory_space<vmem>>) offsets(%dma_start3A_53 : memref<128xi32, #tpu.memory_space<vmem>>) semaphore(%arg26 : memref<!tpu.dma_semaphore, #tpu.memory_space<semaphore_mem>>)
        %dma_start3A_56 = arith.constant 0 : i32
        %dma_start3A_57 = tpu.memref_slice %arg19[%scan3A_24, %dma_start3A_56] : memref<8x128xf32, #tpu.memory_space<vmem>> -> memref<1x128xf32, #tpu.memory_space<vmem>>
        %dma_start3A_58 = tpu.memref_squeeze %dma_start3A_57 : memref<1x128xf32, #tpu.memory_space<vmem>> -> memref<128xf32, #tpu.memory_space<vmem>>
        %dma_start3A_59 = arith.constant 0 : i32
        %dma_start3A_60 = tpu.memref_slice %arg13[%scan3A_24, %dma_start3A_59] : memref<8x128xi32, #tpu.memory_space<vmem>> -> memref<1x128xi32, #tpu.memory_space<vmem>>
        %dma_start3A_61 = tpu.memref_squeeze %dma_start3A_60 : memref<1x128xi32, #tpu.memory_space<vmem>> -> memref<128xi32, #tpu.memory_space<vmem>>
        %dma_start3A_62 = arith.constant 0 : i32
        %dma_start3A_63 = tpu.memref_slice %arg6[%dma_start3A_62] : memref<100000xf32, #tpu.memory_space<hbm>> -> memref<100000xf32, #tpu.memory_space<hbm>>
        tpu.enqueue_indirect_dma source(%dma_start3A_63 : memref<100000xf32, #tpu.memory_space<hbm>>) target(%dma_start3A_58 : memref<128xf32, #tpu.memory_space<vmem>>) offsets(%dma_start3A_61 : memref<128xi32, #tpu.memory_space<vmem>>) semaphore(%arg26 : memref<!tpu.dma_semaphore, #tpu.memory_space<semaphore_mem>>)
        %dma_start3A_64 = arith.constant 0 : i32
        %dma_start3A_65 = tpu.memref_slice %arg20[%scan3A_24, %dma_start3A_64] : memref<8x128xf32, #tpu.memory_space<vmem>> -> memref<1x128xf32, #tpu.memory_space<vmem>>
        %dma_start3A_66 = tpu.memref_squeeze %dma_start3A_65 : memref<1x128xf32, #tpu.memory_space<vmem>> -> memref<128xf32, #tpu.memory_space<vmem>>
        %dma_start3A_67 = arith.constant 0 : i32
        %dma_start3A_68 = tpu.memref_slice %arg13[%scan3A_24, %dma_start3A_67] : memref<8x128xi32, #tpu.memory_space<vmem>> -> memref<1x128xi32, #tpu.memory_space<vmem>>
        %dma_start3A_69 = tpu.memref_squeeze %dma_start3A_68 : memref<1x128xi32, #tpu.memory_space<vmem>> -> memref<128xi32, #tpu.memory_space<vmem>>
        %dma_start3A_70 = arith.constant 0 : i32
        %dma_start3A_71 = tpu.memref_slice %arg7[%dma_start3A_70] : memref<100000xf32, #tpu.memory_space<hbm>> -> memref<100000xf32, #tpu.memory_space<hbm>>
        tpu.enqueue_indirect_dma source(%dma_start3A_71 : memref<100000xf32, #tpu.memory_space<hbm>>) target(%dma_start3A_66 : memref<128xf32, #tpu.memory_space<vmem>>) offsets(%dma_start3A_69 : memref<128xi32, #tpu.memory_space<vmem>>) semaphore(%arg26 : memref<!tpu.dma_semaphore, #tpu.memory_space<semaphore_mem>>)
        %dma_start3A_72 = arith.constant 0 : i32
        %dma_start3A_73 = tpu.memref_slice %arg21[%scan3A_24, %dma_start3A_72] : memref<8x128xf32, #tpu.memory_space<vmem>> -> memref<1x128xf32, #tpu.memory_space<vmem>>
        %dma_start3A_74 = tpu.memref_squeeze %dma_start3A_73 : memref<1x128xf32, #tpu.memory_space<vmem>> -> memref<128xf32, #tpu.memory_space<vmem>>
        %dma_start3A_75 = arith.constant 0 : i32
        %dma_start3A_76 = tpu.memref_slice %arg13[%scan3A_24, %dma_start3A_75] : memref<8x128xi32, #tpu.memory_space<vmem>> -> memref<1x128xi32, #tpu.memory_space<vmem>>
        %dma_start3A_77 = tpu.memref_squeeze %dma_start3A_76 : memref<1x128xi32, #tpu.memory_space<vmem>> -> memref<128xi32, #tpu.memory_space<vmem>>
        %dma_start3A_78 = arith.constant 0 : i32
        %dma_start3A_79 = tpu.memref_slice %arg8[%dma_start3A_78] : memref<100000xf32, #tpu.memory_space<hbm>> -> memref<100000xf32, #tpu.memory_space<hbm>>
        tpu.enqueue_indirect_dma source(%dma_start3A_79 : memref<100000xf32, #tpu.memory_space<hbm>>) target(%dma_start3A_74 : memref<128xf32, #tpu.memory_space<vmem>>) offsets(%dma_start3A_77 : memref<128xi32, #tpu.memory_space<vmem>>) semaphore(%arg26 : memref<!tpu.dma_semaphore, #tpu.memory_space<semaphore_mem>>)
        %dma_start3A_80 = arith.constant 0 : i32
        %dma_start3A_81 = tpu.memref_slice %arg22[%scan3A_24, %dma_start3A_80] : memref<8x128xf32, #tpu.memory_space<vmem>> -> memref<1x128xf32, #tpu.memory_space<vmem>>
        %dma_start3A_82 = tpu.memref_squeeze %dma_start3A_81 : memref<1x128xf32, #tpu.memory_space<vmem>> -> memref<128xf32, #tpu.memory_space<vmem>>
        %dma_start3A_83 = arith.constant 0 : i32
        %dma_start3A_84 = tpu.memref_slice %arg14[%scan3A_24, %dma_start3A_83] : memref<8x128xi32, #tpu.memory_space<vmem>> -> memref<1x128xi32, #tpu.memory_space<vmem>>
        %dma_start3A_85 = tpu.memref_squeeze %dma_start3A_84 : memref<1x128xi32, #tpu.memory_space<vmem>> -> memref<128xi32, #tpu.memory_space<vmem>>
        %dma_start3A_86 = arith.constant 0 : i32
        %dma_start3A_87 = tpu.memref_slice %arg7[%dma_start3A_86] : memref<100000xf32, #tpu.memory_space<hbm>> -> memref<100000xf32, #tpu.memory_space<hbm>>
        tpu.enqueue_indirect_dma source(%dma_start3A_87 : memref<100000xf32, #tpu.memory_space<hbm>>) target(%dma_start3A_82 : memref<128xf32, #tpu.memory_space<vmem>>) offsets(%dma_start3A_85 : memref<128xi32, #tpu.memory_space<vmem>>) semaphore(%arg26 : memref<!tpu.dma_semaphore, #tpu.memory_space<semaphore_mem>>)
        %dma_start3A_88 = arith.constant 0 : i32
        %dma_start3A_89 = tpu.memref_slice %arg23[%scan3A_24, %dma_start3A_88] : memref<8x128xf32, #tpu.memory_space<vmem>> -> memref<1x128xf32, #tpu.memory_space<vmem>>
        %dma_start3A_90 = tpu.memref_squeeze %dma_start3A_89 : memref<1x128xf32, #tpu.memory_space<vmem>> -> memref<128xf32, #tpu.memory_space<vmem>>
        %dma_start3A_91 = arith.constant 0 : i32
        %dma_start3A_92 = tpu.memref_slice %arg14[%scan3A_24, %dma_start3A_91] : memref<8x128xi32, #tpu.memory_space<vmem>> -> memref<1x128xi32, #tpu.memory_space<vmem>>
        %dma_start3A_93 = tpu.memref_squeeze %dma_start3A_92 : memref<1x128xi32, #tpu.memory_space<vmem>> -> memref<128xi32, #tpu.memory_space<vmem>>
        %dma_start3A_94 = arith.constant 0 : i32
        %dma_start3A_95 = tpu.memref_slice %arg8[%dma_start3A_94] : memref<100000xf32, #tpu.memory_space<hbm>> -> memref<100000xf32, #tpu.memory_space<hbm>>
        tpu.enqueue_indirect_dma source(%dma_start3A_95 : memref<100000xf32, #tpu.memory_space<hbm>>) target(%dma_start3A_90 : memref<128xf32, #tpu.memory_space<vmem>>) offsets(%dma_start3A_93 : memref<128xi32, #tpu.memory_space<vmem>>) semaphore(%arg26 : memref<!tpu.dma_semaphore, #tpu.memory_space<semaphore_mem>>)
        %dma_start3A_96 = arith.constant 0 : i32
        %dma_start3A_97 = tpu.memref_slice %arg24[%scan3A_24, %dma_start3A_96] : memref<8x128xf32, #tpu.memory_space<vmem>> -> memref<1x128xf32, #tpu.memory_space<vmem>>
        %dma_start3A_98 = tpu.memref_squeeze %dma_start3A_97 : memref<1x128xf32, #tpu.memory_space<vmem>> -> memref<128xf32, #tpu.memory_space<vmem>>
        %dma_start3A_99 = arith.constant 0 : i32
        %dma_start3A_100 = tpu.memref_slice %arg13[%scan3A_24, %dma_start3A_99] : memref<8x128xi32, #tpu.memory_space<vmem>> -> memref<1x128xi32, #tpu.memory_space<vmem>>
        %dma_start3A_101 = tpu.memref_squeeze %dma_start3A_100 : memref<1x128xi32, #tpu.memory_space<vmem>> -> memref<128xi32, #tpu.memory_space<vmem>>
        %dma_start3A_102 = arith.constant 0 : i32
        %dma_start3A_103 = tpu.memref_slice %arg9[%dma_start3A_102] : memref<100000xf32, #tpu.memory_space<hbm>> -> memref<100000xf32, #tpu.memory_space<hbm>>
        tpu.enqueue_indirect_dma source(%dma_start3A_103 : memref<100000xf32, #tpu.memory_space<hbm>>) target(%dma_start3A_98 : memref<128xf32, #tpu.memory_space<vmem>>) offsets(%dma_start3A_101 : memref<128xi32, #tpu.memory_space<vmem>>) semaphore(%arg26 : memref<!tpu.dma_semaphore, #tpu.memory_space<semaphore_mem>>)
        %dma_wait3A = arith.constant 0 : i32
        %dma_wait3A_104 = tpu.memref_slice %arg15[%scan3A_24, %dma_wait3A] : memref<8x128xf32, #tpu.memory_space<vmem>> -> memref<1x128xf32, #tpu.memory_space<vmem>>
        %dma_wait3A_105 = tpu.memref_squeeze %dma_wait3A_104 : memref<1x128xf32, #tpu.memory_space<vmem>> -> memref<128xf32, #tpu.memory_space<vmem>>
        %dma_wait3A_106 = arith.constant 0 : i32
        %dma_wait3A_107 = tpu.memref_slice %arg13[%scan3A_24, %dma_wait3A_106] : memref<8x128xi32, #tpu.memory_space<vmem>> -> memref<1x128xi32, #tpu.memory_space<vmem>>
        %dma_wait3A_108 = tpu.memref_squeeze %dma_wait3A_107 : memref<1x128xi32, #tpu.memory_space<vmem>> -> memref<128xi32, #tpu.memory_space<vmem>>
        %dma_wait3A_109 = arith.constant 0 : i32
        %dma_wait3A_110 = tpu.memref_slice %arg2[%dma_wait3A_109] : memref<100000xf32, #tpu.memory_space<hbm>> -> memref<100000xf32, #tpu.memory_space<hbm>>
        tpu.wait_indirect_dma semaphore(%arg26 : memref<!tpu.dma_semaphore, #tpu.memory_space<semaphore_mem>>) src(%dma_wait3A_110 : memref<100000xf32, #tpu.memory_space<hbm>>) dst(%dma_wait3A_105 : memref<128xf32, #tpu.memory_space<vmem>>)
        %dma_wait3A_111 = arith.constant 0 : i32
        %dma_wait3A_112 = tpu.memref_slice %arg16[%scan3A_24, %dma_wait3A_111] : memref<8x128xf32, #tpu.memory_space<vmem>> -> memref<1x128xf32, #tpu.memory_space<vmem>>
        %dma_wait3A_113 = tpu.memref_squeeze %dma_wait3A_112 : memref<1x128xf32, #tpu.memory_space<vmem>> -> memref<128xf32, #tpu.memory_space<vmem>>
        %dma_wait3A_114 = arith.constant 0 : i32
        %dma_wait3A_115 = tpu.memref_slice %arg13[%scan3A_24, %dma_wait3A_114] : memref<8x128xi32, #tpu.memory_space<vmem>> -> memref<1x128xi32, #tpu.memory_space<vmem>>
        %dma_wait3A_116 = tpu.memref_squeeze %dma_wait3A_115 : memref<1x128xi32, #tpu.memory_space<vmem>> -> memref<128xi32, #tpu.memory_space<vmem>>
        %dma_wait3A_117 = arith.constant 0 : i32
        %dma_wait3A_118 = tpu.memref_slice %arg3[%dma_wait3A_117] : memref<100000xf32, #tpu.memory_space<hbm>> -> memref<100000xf32, #tpu.memory_space<hbm>>
        tpu.wait_indirect_dma semaphore(%arg26 : memref<!tpu.dma_semaphore, #tpu.memory_space<semaphore_mem>>) src(%dma_wait3A_118 : memref<100000xf32, #tpu.memory_space<hbm>>) dst(%dma_wait3A_113 : memref<128xf32, #tpu.memory_space<vmem>>)
        %dma_wait3A_119 = arith.constant 0 : i32
        %dma_wait3A_120 = tpu.memref_slice %arg17[%scan3A_24, %dma_wait3A_119] : memref<8x128xf32, #tpu.memory_space<vmem>> -> memref<1x128xf32, #tpu.memory_space<vmem>>
        %dma_wait3A_121 = tpu.memref_squeeze %dma_wait3A_120 : memref<1x128xf32, #tpu.memory_space<vmem>> -> memref<128xf32, #tpu.memory_space<vmem>>
        %dma_wait3A_122 = arith.constant 0 : i32
        %dma_wait3A_123 = tpu.memref_slice %arg13[%scan3A_24, %dma_wait3A_122] : memref<8x128xi32, #tpu.memory_space<vmem>> -> memref<1x128xi32, #tpu.memory_space<vmem>>
        %dma_wait3A_124 = tpu.memref_squeeze %dma_wait3A_123 : memref<1x128xi32, #tpu.memory_space<vmem>> -> memref<128xi32, #tpu.memory_space<vmem>>
        %dma_wait3A_125 = arith.constant 0 : i32
        %dma_wait3A_126 = tpu.memref_slice %arg4[%dma_wait3A_125] : memref<100000xf32, #tpu.memory_space<hbm>> -> memref<100000xf32, #tpu.memory_space<hbm>>
        tpu.wait_indirect_dma semaphore(%arg26 : memref<!tpu.dma_semaphore, #tpu.memory_space<semaphore_mem>>) src(%dma_wait3A_126 : memref<100000xf32, #tpu.memory_space<hbm>>) dst(%dma_wait3A_121 : memref<128xf32, #tpu.memory_space<vmem>>)
        %dma_wait3A_127 = arith.constant 0 : i32
        %dma_wait3A_128 = tpu.memref_slice %arg18[%scan3A_24, %dma_wait3A_127] : memref<8x128xf32, #tpu.memory_space<vmem>> -> memref<1x128xf32, #tpu.memory_space<vmem>>
        %dma_wait3A_129 = tpu.memref_squeeze %dma_wait3A_128 : memref<1x128xf32, #tpu.memory_space<vmem>> -> memref<128xf32, #tpu.memory_space<vmem>>
        %dma_wait3A_130 = arith.constant 0 : i32
        %dma_wait3A_131 = tpu.memref_slice %arg13[%scan3A_24, %dma_wait3A_130] : memref<8x128xi32, #tpu.memory_space<vmem>> -> memref<1x128xi32, #tpu.memory_space<vmem>>
        %dma_wait3A_132 = tpu.memref_squeeze %dma_wait3A_131 : memref<1x128xi32, #tpu.memory_space<vmem>> -> memref<128xi32, #tpu.memory_space<vmem>>
        %dma_wait3A_133 = arith.constant 0 : i32
        %dma_wait3A_134 = tpu.memref_slice %arg5[%dma_wait3A_133] : memref<100000xf32, #tpu.memory_space<hbm>> -> memref<100000xf32, #tpu.memory_space<hbm>>
        tpu.wait_indirect_dma semaphore(%arg26 : memref<!tpu.dma_semaphore, #tpu.memory_space<semaphore_mem>>) src(%dma_wait3A_134 : memref<100000xf32, #tpu.memory_space<hbm>>) dst(%dma_wait3A_129 : memref<128xf32, #tpu.memory_space<vmem>>)
        %dma_wait3A_135 = arith.constant 0 : i32
        %dma_wait3A_136 = tpu.memref_slice %arg19[%scan3A_24, %dma_wait3A_135] : memref<8x128xf32, #tpu.memory_space<vmem>> -> memref<1x128xf32, #tpu.memory_space<vmem>>
        %dma_wait3A_137 = tpu.memref_squeeze %dma_wait3A_136 : memref<1x128xf32, #tpu.memory_space<vmem>> -> memref<128xf32, #tpu.memory_space<vmem>>
        %dma_wait3A_138 = arith.constant 0 : i32
        %dma_wait3A_139 = tpu.memref_slice %arg13[%scan3A_24, %dma_wait3A_138] : memref<8x128xi32, #tpu.memory_space<vmem>> -> memref<1x128xi32, #tpu.memory_space<vmem>>
        %dma_wait3A_140 = tpu.memref_squeeze %dma_wait3A_139 : memref<1x128xi32, #tpu.memory_space<vmem>> -> memref<128xi32, #tpu.memory_space<vmem>>
        %dma_wait3A_141 = arith.constant 0 : i32
        %dma_wait3A_142 = tpu.memref_slice %arg6[%dma_wait3A_141] : memref<100000xf32, #tpu.memory_space<hbm>> -> memref<100000xf32, #tpu.memory_space<hbm>>
        tpu.wait_indirect_dma semaphore(%arg26 : memref<!tpu.dma_semaphore, #tpu.memory_space<semaphore_mem>>) src(%dma_wait3A_142 : memref<100000xf32, #tpu.memory_space<hbm>>) dst(%dma_wait3A_137 : memref<128xf32, #tpu.memory_space<vmem>>)
        %dma_wait3A_143 = arith.constant 0 : i32
        %dma_wait3A_144 = tpu.memref_slice %arg20[%scan3A_24, %dma_wait3A_143] : memref<8x128xf32, #tpu.memory_space<vmem>> -> memref<1x128xf32, #tpu.memory_space<vmem>>
        %dma_wait3A_145 = tpu.memref_squeeze %dma_wait3A_144 : memref<1x128xf32, #tpu.memory_space<vmem>> -> memref<128xf32, #tpu.memory_space<vmem>>
        %dma_wait3A_146 = arith.constant 0 : i32
        %dma_wait3A_147 = tpu.memref_slice %arg13[%scan3A_24, %dma_wait3A_146] : memref<8x128xi32, #tpu.memory_space<vmem>> -> memref<1x128xi32, #tpu.memory_space<vmem>>
        %dma_wait3A_148 = tpu.memref_squeeze %dma_wait3A_147 : memref<1x128xi32, #tpu.memory_space<vmem>> -> memref<128xi32, #tpu.memory_space<vmem>>
        %dma_wait3A_149 = arith.constant 0 : i32
        %dma_wait3A_150 = tpu.memref_slice %arg7[%dma_wait3A_149] : memref<100000xf32, #tpu.memory_space<hbm>> -> memref<100000xf32, #tpu.memory_space<hbm>>
        tpu.wait_indirect_dma semaphore(%arg26 : memref<!tpu.dma_semaphore, #tpu.memory_space<semaphore_mem>>) src(%dma_wait3A_150 : memref<100000xf32, #tpu.memory_space<hbm>>) dst(%dma_wait3A_145 : memref<128xf32, #tpu.memory_space<vmem>>)
        %dma_wait3A_151 = arith.constant 0 : i32
        %dma_wait3A_152 = tpu.memref_slice %arg21[%scan3A_24, %dma_wait3A_151] : memref<8x128xf32, #tpu.memory_space<vmem>> -> memref<1x128xf32, #tpu.memory_space<vmem>>
        %dma_wait3A_153 = tpu.memref_squeeze %dma_wait3A_152 : memref<1x128xf32, #tpu.memory_space<vmem>> -> memref<128xf32, #tpu.memory_space<vmem>>
        %dma_wait3A_154 = arith.constant 0 : i32
        %dma_wait3A_155 = tpu.memref_slice %arg13[%scan3A_24, %dma_wait3A_154] : memref<8x128xi32, #tpu.memory_space<vmem>> -> memref<1x128xi32, #tpu.memory_space<vmem>>
        %dma_wait3A_156 = tpu.memref_squeeze %dma_wait3A_155 : memref<1x128xi32, #tpu.memory_space<vmem>> -> memref<128xi32, #tpu.memory_space<vmem>>
        %dma_wait3A_157 = arith.constant 0 : i32
        %dma_wait3A_158 = tpu.memref_slice %arg8[%dma_wait3A_157] : memref<100000xf32, #tpu.memory_space<hbm>> -> memref<100000xf32, #tpu.memory_space<hbm>>
        tpu.wait_indirect_dma semaphore(%arg26 : memref<!tpu.dma_semaphore, #tpu.memory_space<semaphore_mem>>) src(%dma_wait3A_158 : memref<100000xf32, #tpu.memory_space<hbm>>) dst(%dma_wait3A_153 : memref<128xf32, #tpu.memory_space<vmem>>)
        %dma_wait3A_159 = arith.constant 0 : i32
        %dma_wait3A_160 = tpu.memref_slice %arg22[%scan3A_24, %dma_wait3A_159] : memref<8x128xf32, #tpu.memory_space<vmem>> -> memref<1x128xf32, #tpu.memory_space<vmem>>
        %dma_wait3A_161 = tpu.memref_squeeze %dma_wait3A_160 : memref<1x128xf32, #tpu.memory_space<vmem>> -> memref<128xf32, #tpu.memory_space<vmem>>
        %dma_wait3A_162 = arith.constant 0 : i32
        %dma_wait3A_163 = tpu.memref_slice %arg14[%scan3A_24, %dma_wait3A_162] : memref<8x128xi32, #tpu.memory_space<vmem>> -> memref<1x128xi32, #tpu.memory_space<vmem>>
        %dma_wait3A_164 = tpu.memref_squeeze %dma_wait3A_163 : memref<1x128xi32, #tpu.memory_space<vmem>> -> memref<128xi32, #tpu.memory_space<vmem>>
        %dma_wait3A_165 = arith.constant 0 : i32
        %dma_wait3A_166 = tpu.memref_slice %arg7[%dma_wait3A_165] : memref<100000xf32, #tpu.memory_space<hbm>> -> memref<100000xf32, #tpu.memory_space<hbm>>
        tpu.wait_indirect_dma semaphore(%arg26 : memref<!tpu.dma_semaphore, #tpu.memory_space<semaphore_mem>>) src(%dma_wait3A_166 : memref<100000xf32, #tpu.memory_space<hbm>>) dst(%dma_wait3A_161 : memref<128xf32, #tpu.memory_space<vmem>>)
        %dma_wait3A_167 = arith.constant 0 : i32
        %dma_wait3A_168 = tpu.memref_slice %arg23[%scan3A_24, %dma_wait3A_167] : memref<8x128xf32, #tpu.memory_space<vmem>> -> memref<1x128xf32, #tpu.memory_space<vmem>>
        %dma_wait3A_169 = tpu.memref_squeeze %dma_wait3A_168 : memref<1x128xf32, #tpu.memory_space<vmem>> -> memref<128xf32, #tpu.memory_space<vmem>>
        %dma_wait3A_170 = arith.constant 0 : i32
        %dma_wait3A_171 = tpu.memref_slice %arg14[%scan3A_24, %dma_wait3A_170] : memref<8x128xi32, #tpu.memory_space<vmem>> -> memref<1x128xi32, #tpu.memory_space<vmem>>
        %dma_wait3A_172 = tpu.memref_squeeze %dma_wait3A_171 : memref<1x128xi32, #tpu.memory_space<vmem>> -> memref<128xi32, #tpu.memory_space<vmem>>
        %dma_wait3A_173 = arith.constant 0 : i32
        %dma_wait3A_174 = tpu.memref_slice %arg8[%dma_wait3A_173] : memref<100000xf32, #tpu.memory_space<hbm>> -> memref<100000xf32, #tpu.memory_space<hbm>>
        tpu.wait_indirect_dma semaphore(%arg26 : memref<!tpu.dma_semaphore, #tpu.memory_space<semaphore_mem>>) src(%dma_wait3A_174 : memref<100000xf32, #tpu.memory_space<hbm>>) dst(%dma_wait3A_169 : memref<128xf32, #tpu.memory_space<vmem>>)
        %dma_wait3A_175 = arith.constant 0 : i32
        %dma_wait3A_176 = tpu.memref_slice %arg24[%scan3A_24, %dma_wait3A_175] : memref<8x128xf32, #tpu.memory_space<vmem>> -> memref<1x128xf32, #tpu.memory_space<vmem>>
        %dma_wait3A_177 = tpu.memref_squeeze %dma_wait3A_176 : memref<1x128xf32, #tpu.memory_space<vmem>> -> memref<128xf32, #tpu.memory_space<vmem>>
        %dma_wait3A_178 = arith.constant 0 : i32
        %dma_wait3A_179 = tpu.memref_slice %arg13[%scan3A_24, %dma_wait3A_178] : memref<8x128xi32, #tpu.memory_space<vmem>> -> memref<1x128xi32, #tpu.memory_space<vmem>>
        %dma_wait3A_180 = tpu.memref_squeeze %dma_wait3A_179 : memref<1x128xi32, #tpu.memory_space<vmem>> -> memref<128xi32, #tpu.memory_space<vmem>>
        %dma_wait3A_181 = arith.constant 0 : i32
        %dma_wait3A_182 = tpu.memref_slice %arg9[%dma_wait3A_181] : memref<100000xf32, #tpu.memory_space<hbm>> -> memref<100000xf32, #tpu.memory_space<hbm>>
        tpu.wait_indirect_dma semaphore(%arg26 : memref<!tpu.dma_semaphore, #tpu.memory_space<semaphore_mem>>) src(%dma_wait3A_182 : memref<100000xf32, #tpu.memory_space<hbm>>) dst(%dma_wait3A_177 : memref<128xf32, #tpu.memory_space<vmem>>)
      }
      %scan3A_17 = arith.constant 8 : i32
      %scan3A_18 = arith.constant 0 : i32
      %scan3A_19 = arith.constant 0 : i32
      %scan3A_20 = arith.constant 8 : i32
      %scan3A_21 = arith.addi %scan3A_19, %scan3A_20 : i32
      %scan3A_22 = arith.constant 1 : i32
      scf.for %scan3A_24 = %scan3A_19 to %scan3A_21 step %scan3A_22  : i32 {
        %scan3A_25 = arith.constant 0 : i32
        %scan3A_26 = arith.constant 0 : i32
        %scan3A_27 = arith.constant 8 : i32
        %scan3A_28 = arith.addi %scan3A_26, %scan3A_27 : i32
        %scan3A_29 = arith.constant 1 : i32
        scf.for %scan3A_31 = %scan3A_26 to %scan3A_28 step %scan3A_29  : i32 {
          %mul3A_32 = arith.constant 16 : i32
          %mul3A_33 = arith.muli %scan3A_31, %mul3A_32 : i32
          %get3A = arith.index_cast %scan3A_24 : i32 to index
          %get3A_34 = arith.index_cast %mul3A_33 : i32 to index
          %get3A_35 = tpu.vector_load %arg22[%get3A, %get3A_34] {strides = array<i32>} : memref<8x128xf32, #tpu.memory_space<vmem>>, vector<1x16xf32>,
          %get3A_36 = vector.shape_cast %get3A_35 : vector<1x16xf32> to vector<16xf32>
          %get3A_37 = arith.index_cast %scan3A_24 : i32 to index
          %get3A_38 = arith.index_cast %mul3A_33 : i32 to index
          %get3A_39 = tpu.vector_load %arg20[%get3A_37, %get3A_38] {strides = array<i32>} : memref<8x128xf32, #tpu.memory_space<vmem>>, vector<1x16xf32>,
          %get3A_40 = vector.shape_cast %get3A_39 : vector<1x16xf32> to vector<16xf32>
          %sub3A = arith.subf %get3A_36, %get3A_40 : vector<16xf32>
          %get3A_41 = arith.index_cast %scan3A_24 : i32 to index
          %get3A_42 = arith.index_cast %mul3A_33 : i32 to index
          %get3A_43 = tpu.vector_load %arg23[%get3A_41, %get3A_42] {strides = array<i32>} : memref<8x128xf32, #tpu.memory_space<vmem>>, vector<1x16xf32>,
          %get3A_44 = vector.shape_cast %get3A_43 : vector<1x16xf32> to vector<16xf32>
          %get3A_45 = arith.index_cast %scan3A_24 : i32 to index
          %get3A_46 = arith.index_cast %mul3A_33 : i32 to index
          %get3A_47 = tpu.vector_load %arg21[%get3A_45, %get3A_46] {strides = array<i32>} : memref<8x128xf32, #tpu.memory_space<vmem>>, vector<1x16xf32>,
          %get3A_48 = vector.shape_cast %get3A_47 : vector<1x16xf32> to vector<16xf32>
          %sub3A_49 = arith.subf %get3A_44, %get3A_48 : vector<16xf32>
          %get3A_50 = arith.index_cast %scan3A_24 : i32 to index
          %get3A_51 = arith.index_cast %mul3A_33 : i32 to index
          %get3A_52 = tpu.vector_load %arg15[%get3A_50, %get3A_51] {strides = array<i32>} : memref<8x128xf32, #tpu.memory_space<vmem>>, vector<1x16xf32>,
          %get3A_53 = vector.shape_cast %get3A_52 : vector<1x16xf32> to vector<16xf32>
          %mul3A_54 = arith.mulf %get3A_53, %sub3A : vector<16xf32>
          %get3A_55 = arith.index_cast %scan3A_24 : i32 to index
          %get3A_56 = arith.index_cast %mul3A_33 : i32 to index
          %get3A_57 = tpu.vector_load %arg16[%get3A_55, %get3A_56] {strides = array<i32>} : memref<8x128xf32, #tpu.memory_space<vmem>>, vector<1x16xf32>,
          %get3A_58 = vector.shape_cast %get3A_57 : vector<1x16xf32> to vector<16xf32>
          %mul3A_59 = arith.mulf %get3A_58, %sub3A_49 : vector<16xf32>
          %add3A_60 = arith.addf %mul3A_54, %mul3A_59 : vector<16xf32>
          %get3A_61 = arith.index_cast %scan3A_24 : i32 to index
          %get3A_62 = arith.index_cast %mul3A_33 : i32 to index
          %get3A_63 = tpu.vector_load %arg17[%get3A_61, %get3A_62] {strides = array<i32>} : memref<8x128xf32, #tpu.memory_space<vmem>>, vector<1x16xf32>,
          %get3A_64 = vector.shape_cast %get3A_63 : vector<1x16xf32> to vector<16xf32>
          %mul3A_65 = arith.mulf %sub3A, %sub3A_49 : vector<16xf32>
          %mul3A_66 = arith.mulf %get3A_64, %mul3A_65 : vector<16xf32>
          %add3A_67 = arith.addf %add3A_60, %mul3A_66 : vector<16xf32>
          %get3A_68 = arith.index_cast %scan3A_24 : i32 to index
          %get3A_69 = arith.index_cast %mul3A_33 : i32 to index
          %get3A_70 = tpu.vector_load %arg18[%get3A_68, %get3A_69] {strides = array<i32>} : memref<8x128xf32, #tpu.memory_space<vmem>>, vector<1x16xf32>,
          %get3A_71 = vector.shape_cast %get3A_70 : vector<1x16xf32> to vector<16xf32>
          %mul3A_72 = arith.mulf %sub3A, %sub3A : vector<16xf32>
          %mul3A_73 = arith.mulf %get3A_71, %mul3A_72 : vector<16xf32>
          %add3A_74 = arith.addf %add3A_67, %mul3A_73 : vector<16xf32>
          %get3A_75 = arith.index_cast %scan3A_24 : i32 to index
          %get3A_76 = arith.index_cast %mul3A_33 : i32 to index
          %get3A_77 = tpu.vector_load %arg19[%get3A_75, %get3A_76] {strides = array<i32>} : memref<8x128xf32, #tpu.memory_space<vmem>>, vector<1x16xf32>,
          %get3A_78 = vector.shape_cast %get3A_77 : vector<1x16xf32> to vector<16xf32>
          %mul3A_79 = arith.mulf %sub3A_49, %sub3A_49 : vector<16xf32>
          %mul3A_80 = arith.mulf %get3A_78, %mul3A_79 : vector<16xf32>
          %add3A_81 = arith.addf %add3A_74, %mul3A_80 : vector<16xf32>
          %get3A_82 = arith.index_cast %scan3A_24 : i32 to index
          %get3A_83 = arith.index_cast %mul3A_33 : i32 to index
          %get3A_84 = tpu.vector_load %arg24[%get3A_82, %get3A_83] {strides = array<i32>} : memref<8x128xf32, #tpu.memory_space<vmem>>, vector<1x16xf32>,
          %get3A_85 = vector.shape_cast %get3A_84 : vector<1x16xf32> to vector<16xf32>
          %mul3A_86 = arith.mulf %add3A_81, %get3A_85 : vector<16xf32>
          %max3A = arith.constant -5.000000e+03 : f32
          %max3A_87 = vector.broadcast %max3A : f32 to vector<16xf32>
          %max3A_88 = arith.maximumf %mul3A_86, %max3A_87 : vector<16xf32>
          %min3A = arith.constant 5.000000e+03 : f32
          %min3A_89 = vector.broadcast %min3A : f32 to vector<16xf32>
          %min3A_90 = arith.minimumf %max3A_88, %min3A_89 : vector<16xf32>
          %swap3A = arith.index_cast %scan3A_24 : i32 to index
          %swap3A_91 = arith.index_cast %mul3A_33 : i32 to index
          %swap3A_92 = tpu.vector_load %arg25[%swap3A, %swap3A_91] {strides = array<i32>} : memref<8x128xf32, #tpu.memory_space<vmem>>, vector<1x16xf32>,
          %swap3A_93 = vector.shape_cast %swap3A_92 : vector<1x16xf32> to vector<16xf32>
          %swap3A_94 = vector.shape_cast %min3A_90 : vector<16xf32> to vector<1x16xf32>
          tpu.vector_store %arg25[%swap3A, %swap3A_91], %swap3A_94 {strides = array<i32>} : memref<8x128xf32, #tpu.memory_space<vmem>>, vector<1x16xf32>,
        }
        %scan3A_30 = arith.constant 8 : i32
      }
      %scan3A_23 = arith.constant 8 : i32
      "tpu.region"() ({
        %run_scoped3A = tpu.sem_alloc : memref<!tpu.dma_semaphore, #tpu.memory_space<semaphore_mem>>
        %dma_start3A = arith.constant 0 : i32
        %dma_start3A_24 = tpu.memref_slice %arg12[%multiple_of3A, %dma_start3A] : memref<12544x128xf32, #tpu.memory_space<hbm>> -> memref<8x128xf32, #tpu.memory_space<hbm>>
        %dma_start3A_25 = arith.constant 0 : i32
        %dma_start3A_26 = tpu.memref_slice %arg12[%multiple_of3A, %dma_start3A_25] : memref<12544x128xf32, #tpu.memory_space<hbm>> -> memref<8x128xf32, #tpu.memory_space<hbm>>
        tpu.enqueue_dma source(%arg25 : memref<8x128xf32, #tpu.memory_space<vmem>>) target(%dma_start3A_26 : memref<8x128xf32, #tpu.memory_space<hbm>>) target_semaphore(%run_scoped3A : memref<!tpu.dma_semaphore, #tpu.memory_space<semaphore_mem>>)
        %dma_wait3A = arith.constant 0 : i32
        %dma_wait3A_27 = tpu.memref_slice %arg12[%multiple_of3A, %dma_wait3A] : memref<12544x128xf32, #tpu.memory_space<hbm>> -> memref<8x128xf32, #tpu.memory_space<hbm>>
        %dma_wait3A_28 = arith.constant 0 : i32
        %dma_wait3A_29 = tpu.memref_slice %arg12[%multiple_of3A, %dma_wait3A_28] : memref<12544x128xf32, #tpu.memory_space<hbm>> -> memref<8x128xf32, #tpu.memory_space<hbm>>
        tpu.wait_dma2 semaphore(%run_scoped3A : memref<!tpu.dma_semaphore, #tpu.memory_space<semaphore_mem>>) src(%arg25 : memref<8x128xf32, #tpu.memory_space<vmem>>) dst(%dma_wait3A_29 : memref<8x128xf32, #tpu.memory_space<hbm>>)
        tpu.yield
      }) : () -> ()
    }
    %scan3A_5 = arith.constant 49 : i32
    return
  }
}

</mosaic_0001>

<sc_bundles>
// kernel: gather_offload_async_start.1
scs
__scs_entry_jumppad:
0x0: {  	(pc) =	sbr.rel $0x88, $3  }
0x1: {  	(tag) =	ssettag $0x0;
	lr =	simm.s32 $0x1  }
0x2: {  	[smem:$0x3F9F] =	sst lr;
	_ =	strace $0xD0000000  }
0x3: {  	_ = 	snop  }
0x4: {  	_ = 	snop  }
0x5: {  	_ = 	snop  }
0x6: {  	_ = 	snop  }
0x7: {  	_ = 	snop  }
__scs_overlays_trampoline_lowered:
0x8: {  	[smem:$0x3FAE] =	sst s0  }
0x9: {  	[smem:$0x3FAF] =	sst s1  }
0xa: {  	[smem:$0x3FB0] =	sst s2  }
0xb: {  	[smem:$0x3FB1] =	sst s3  }
0xc: {  	[smem:$0x3FB2] =	sst s4  }
0xd: {  	[smem:$0x3FB3] =	sst s5  }
0xe: {  	[smem:$0x3FB4] =	sst s6  }
0xf: {  	[smem:$0x3FB5] =	sst s7  }
0x10: {  	[smem:$0x3FB6] =	sst s8  }
0x11: {  	[smem:$0x3FB7] =	sst s9;
	s0 =	simm.s32 @!p0 $0x0  }
0x12: {  	s1 =	sld [smem:$0x3F9D];
	s0 =	simm.s32 @p0 $0x1  }
0x13: {  	[smem:$0x3FB8] =	sst s0;
	s0 =	simm.s32 @!p1 $0x0  }
0x14: {  	s2 =	sld [smem:$0x3F9C];
	s0 =	simm.s32 @p1 $0x1  }
0x15: {  	[smem:$0x3FB9] =	sst s0;
	s0 =	simm.s32 @!p2 $0x0  }
0x16: {  	s3 =	sld [smem:$0x3FDB];
	s0 =	simm.s32 @p2 $0x1  }
0x17: {  	s4 =	simm.s32 $0x1BF5;
	[smem:$0x3FBB] =	sst s0  }
0x18: {  	s0 =	sld [smem:$0x3F9E];
	_ =	swait.ge [sflag:s4], $0x0  }
0x19: {  	s7 =	sld [smem:$0x3F9F]  }
0x1a: {  	s8 =	sadd.s32 $0xFFFFE003, lr  }
0x1b: {  	s9 =	sadd.s32 $0xFFFFFEF7, lr;
	s5 =	simm.s32 $0xFFFFFFFF;
	p2 =	slt.u32 s8, $0xFFFFF086  }
0x1c: {  	p1 =	slt.u32 s9, $0xF7A;
	s5 =	simm.s32 @!p2 $0x0  }
0x1d: {  	s5 =	simm.s32 @p1 $0x1;
	p0 =	seq.s32 s7, s2  }
0x1e: {  	s7 =	smul.u32 @!p0 $0xF7A, s2;
	p2 =	seq.s32 @!p0 s5, $0x0  }
0x1f: {  	s9 =	smul.u32 $0xF7A, s1;
	s8 =	simm.s32 @!p0 $0x1BF5;
	p2 =	por !p2, p0  }
0x20: {  	[sflag:s8] =	ssyncset.s32 @!p0 $0xFFFFF086;
	s6 =	sadd.s32 @!p0 s3, s7;
	s7 =	simm.s32 @!p0 $0x108  }
0x21: {  	s3 =	sadd.s32 s3, s9;
	s6 =	sadd.s32 @!p0 $0x88, s6;
	s7 =	simm.s32 @p2 $0x1082  }
0x22: {  	[simem:s7], [sflag:s8] =	dma.local @!p0 [hbm:s6], $0xF7A  }
0x23: {  	s9 =	sor.u32 $0xD0000000, s2;
	s6 =	simm.s32 $0x108;
	_ =	swait.ge @!p0 [sflag:s8], $0x0  }
0x24: {  	s3 =	sadd.s32 $0x88, s3;
	s6 =	simm.s32 @!p1 $0x1082;
	[sflag:s4] =	ssyncset.s32 $0xFFFFF086  }
0x25: {  	[simem:s6], [sflag:s4] =	dma.local [hbm:s3], $0xF7A  }
0x26: {  	[smem:$0x3F9F] =	sst s1;
	(tag) =	ssettag s2;
	_ =	strace s9  }
0x27: {  	s1 =	sld [smem:$0x3FAF]  }
0x28: {  	s2 =	sld [smem:$0x3FB0]  }
0x29: {  	s4 =	sld [smem:$0x3FB2]  }
0x2a: {  	p0 =	seq.s32 s5, $0x0;
	s5 =	sld [smem:$0x3FB3]  }
0x2b: {  	s6 =	sld [smem:$0x3FB4]  }
0x2c: {  	s7 =	sld [smem:$0x3FB5]  }
0x2d: {  	s3 =	simm.s32 $0x108;
	s8 =	sld [smem:$0x3FB6]  }
0x2e: {  	s3 =	simm.s32 @!p0 $0x1082;
	s9 =	sld [smem:$0x3FB7]  }
0x2f: {  	lr =	sadd.s32 s0, s3;
	s0 =	sld [smem:$0x3FAE]  }
0x30: {  	s3 =	sld [smem:$0x3FB1]  }
0x31: {  	[smem:$0x3FBA] =	sst s10  }
0x32: {  	s10 =	sld [smem:$0x3FB8];
	_ =	sdelay $0x3  }
0x33: {  	p0 =	seq.s32 s10, $0x1;
	s10 =	sld [smem:$0x3FBA];
	_ =	sdelay $0x3  }
0x34: {  	[smem:$0x3FBA] =	sst s10  }
0x35: {  	s10 =	sld [smem:$0x3FB9];
	_ =	sdelay $0x3  }
0x36: {  	p1 =	seq.s32 s10, $0x1;
	s10 =	sld [smem:$0x3FBA];
	_ =	sdelay $0x3  }
0x37: {  	[smem:$0x3FBA] =	sst s10  }
0x38: {  	s10 =	sld [smem:$0x3FBB]  }
0x39: {  	_ = 	snop;
	(pc) =	sbr.ind lr, $3  }
0x3a: {  	_ = 	snop  }
0x3b: {  	_ = 	snop  }
0x3c: {  	p2 =	seq.s32 s10, $0x1;
	s10 =	sld [smem:$0x3FBA]  }
0x3d: {  	_ =	shalt  }
0x3e: {  	_ =	shalt  }
0x3f: {  	_ =	shalt  }
0x40: {  	_ =	shalt  }
0x41: {  	_ =	shalt  }
0x42: {  	_ =	shalt  }
0x43: {  	_ =	shalt  }
0x44: {  	_ =	shalt  }
0x45: {  	_ =	shalt  }
0x46: {  	_ =	shalt  }
0x47: {  	_ =	shalt  }
0x48: {  	_ =	shalt  }
0x49: {  	_ =	shalt  }
0x4a: {  	_ =	shalt  }
0x4b: {  	_ =	shalt  }
0x4c: {  	_ =	shalt  }
0x4d: {  	_ =	shalt  }
0x4e: {  	_ =	shalt  }
0x4f: {  	_ =	shalt  }
0x50: {  	_ =	shalt  }
0x51: {  	_ =	shalt  }
0x52: {  	_ =	shalt  }
0x53: {  	_ =	shalt  }
0x54: {  	_ =	shalt  }
0x55: {  	_ =	shalt  }
0x56: {  	_ =	shalt  }
0x57: {  	_ =	shalt  }
0x58: {  	_ =	shalt  }
0x59: {  	_ =	shalt  }
0x5a: {  	_ =	shalt  }
0x5b: {  	_ =	shalt  }
0x5c: {  	_ =	shalt  }
0x5d: {  	_ =	shalt  }
0x5e: {  	_ =	shalt  }
0x5f: {  	_ =	shalt  }
0x60: {  	_ =	shalt  }
0x61: {  	_ =	shalt  }
0x62: {  	_ =	shalt  }
0x63: {  	_ =	shalt  }
0x64: {  	_ =	shalt  }
0x65: {  	_ =	shalt  }
0x66: {  	_ =	shalt  }
0x67: {  	_ =	shalt  }
0x68: {  	_ =	shalt  }
0x69: {  	_ =	shalt  }
0x6a: {  	_ =	shalt  }
0x6b: {  	_ =	shalt  }
0x6c: {  	_ =	shalt  }
0x6d: {  	_ =	shalt  }
0x6e: {  	_ =	shalt  }
0x6f: {  	_ =	shalt  }
0x70: {  	_ =	shalt  }
0x71: {  	_ =	shalt  }
0x72: {  	_ =	shalt  }
0x73: {  	_ =	shalt  }
0x74: {  	_ =	shalt  }
0x75: {  	_ =	shalt  }
0x76: {  	_ =	shalt  }
0x77: {  	_ =	shalt  }
0x78: {  	_ =	shalt  }
0x79: {  	_ =	shalt  }
0x7a: {  	_ =	shalt  }
0x7b: {  	_ =	shalt  }
0x7c: {  	_ =	shalt  }
0x7d: {  	_ =	shalt  }
0x7e: {  	_ =	shalt  }
0x7f: {  	_ =	shalt  }
0x80: {  	_ =	shalt  }
0x81: {  	_ =	shalt  }
0x82: {  	_ =	shalt  }
0x83: {  	_ =	shalt  }
0x84: {  	_ =	shalt  }
0x85: {  	_ =	shalt  }
0x86: {  	_ =	shalt  }
0x87: {  	_ =	shalt  }
.Lfunc_end0:
.L_simem_size_0:
called_computation.2_lowered:
.L_overlay_start_0:
0x88: {  	s2 =	sld [smem:$0x3FD9]  }
0x89: {  	s3 =	sld [smem:$0x3FFE];
	_ =	sdelay $0x1  }
0x8a: {  	s1 =	srdreg.scid  }
0x8b: {  	s0 =	sand.u32 $0x1, s1  }
0x8c: {  	s17 =	sshll.u32 s0, $0xA;
	s2 =	sadd.s32 s3, s2  }
0x8d: {  	s2 =	sadd.s32 s2, s17  }
0x8e: {  	[smem:$0x3FC6] =	sst s2  }
0x8f: {  	_ = 	snop  }
0x90: {  	(tm) =	ssettm $0x1  }
0x91: {  	s18 =	sld [smem:$0x3FFB];
	_ =	sdelay $0x3  }
0x92: {  	_ =	strace s18  }
0x93: {  	s2 =	sld [smem:$0x3FFC];
	_ =	sdelay $0x3  }
0x94: {  	_ =	strace s2  }
0x95: {  	s2 =	sld [smem:$0x3FFD];
	_ =	sdelay $0x3  }
0x96: {  	_ =	strace s2  }
0x97: {  	_ =	strace $0x8FFFFFFF  }
0x98: {  	s19 =	sld [smem:$0x3FDB];
	_ =	sdelay $0x1  }
0x99: {  	s20 =	simm.s32 $_scs_section_size  }
0x9a: {  	s4 =	simm.s32 $_size__tile_overlayer_lowered;
	s5 =	simm.s32 $_tile_overlayer_lowered  }
0x9b: {  	s6 =	simm.s32 $0x1BFF;
	s21 =	sshll.u32 s5, $0x1;
	s3 =	sadd.s32 s20, s19  }
0x9c: {  	s22 =	simm.s32 $0x0;
	s4 =	sshll.u32 s4, $0x1;
	s5 =	sadd.s32 s21, s3  }
0x9d: {  	[timem:s22], [sflag:s6] =	dma.local [hbm:s5], s4  }
0x9e: {  	_ =	swait.ge [sflag:s6], s4  }
0x9f: {  	s4 =	ssub.s32 $0x0, s4;
	[sflag:s6] =	ssyncset.done $0x0  }
0xa0: {  	[sflag:s6] =	ssyncadd.s32 s4;
	_ =	sdelay $0x1  }
0xa1: {  	s23 =	simm.s32 $0x1B8B  }
0xa2: {  	_ =	swait.ge [sflag:s23], $0x1  }
0xa3: {  	[sflag:s23] =	ssyncset.done $0x0  }
0xa4: {  	[sflag:s23] =	ssyncadd.s32 $0xFFFFFFFF  }
0xa5: {  	s4 =	sld [smem:$0x0]  }
0xa6: {  	s5 =	sand.u32 $0xFFFFFFFE, s1  }
0xa7: {  	p0 =	sne.s32 s1, s5  }
0xa8: {  	s5 =	sshll.u32 @p0 s5, $0xE  }
0xa9: {  	s5 =	sadd.s32 @p0 $0x11B8D, s5;
	s6 =	sshll.u32 @p0 s4, $0x11  }
0xaa: {  	s5 =	sor.u32 @p0 s6, s5  }
0xab: {  	[sflag:s5] =	ssyncadd.remote.s32 @p0 $0x1;
	_ =	sdelay $0x1  }
0xac: {  	s5 =	simm.s32 @p0 $0x1B8D  }
0xad: {  	_ =	swait.eq @p0 [sflag:s5], $0x1  }
0xae: {  	[sflag:s5] =	ssyncadd.s32 @p0 $0xFFFFFFFF  }
0xaf: {  	s6 =	sshll.u32 @!p0 s1, $0xE  }
0xb0: {  	s6 =	sor.u32 @!p0 $0x4000, s6;
	s5 =	simm.s32 @!p0 $0x1B8D  }
0xb1: {  	s4 =	sshll.u32 @!p0 s4, $0x11;
	s6 =	sadd.s32 @!p0 $0x11B8D, s6;
	_ =	swait.eq @!p0 [sflag:s5], $0x1  }
0xb2: {  	s4 =	sor.u32 @!p0 s4, s6;
	[sflag:s5] =	ssyncadd.s32 @!p0 $0xFFFFFFFF  }
0xb3: {  	s25 =	simm.s32 $0x1B8E;
	s24 =	sld [smem:$0x3FFE];
	[sflag:s4] =	ssyncadd.remote.s32 @!p0 $0x1  }
0xb4: {  	s26 =	simm.s32 $execute0_lowered;
	[smem:$0x3FD2] =	sst s25  }
0xb5: {  	s5 =	sshll.u32 s26, $0x1;
	_ =	strace $0x8000004C;
	[dreg:$0x1] =	wrdreg $0xFFFFFFFF  }
0xb6: {  	s28 =	simm.s32 $_size_execute0_lowered;
	s3 =	sadd.s32 s3, s5;
	[dreg:$0x0] =	wrdreg $0x0  }
0xb7: {  	s5 =	sshll.u32 s28, $0x1;
	[dreg:$0x2] =	wrdreg s3  }
0xb8: {  	[dreg:$0x3] =	wrdreg s5  }
0xb9: {  	[dreg:$0x4] =	wrdreg $0xC0  }
0xba: {  	_ =	task [dreg:s22], $0x5FFFF  }
0xbb: {  	[dreg:$0x1] =	wrdreg $0xFFFFFFFF  }
0xbc: {  	[dreg:$0x0] =	wrdreg $0x60  }
0xbd: {  	[dreg:$0x2] =	wrdreg s24  }
0xbe: {  	[dreg:$0x3] =	wrdreg $0xA  }
0xbf: {  	_ =	task.clear_ibuf [dreg:s22], $0x4FFFF;
	_ =	strace $0x9000004C  }
0xc0: {  	s29 =	simm.s32 $0xA;
	_ =	strace $0x8000004E  }
0xc1: {  	_ =	swait.ge [sflag:s29], $0x1  }
0xc2: {  	[sflag:s29] =	ssyncadd.s32 $0xFFFFFFFF  }
0xc3: {  	_ =	strace $0x9000004E  }
0xc4: {  	_ =	sfence  }
0xc5: {  	s30 =	sld [smem:$0x0];
	_ =	sdelay $0x2  }
0xc6: {  	s31 =	sshll.u32 s1, $0xD;
	s1 =	sshrl.u32 s1, $0x2  }
0xc7: {  	s4 =	sand.u32 $0x4000, s31;
	s1 =	sadd.s32 s1, s30  }
0xc8: {  	s0 =	sor.u32 s4, s0;
	s1 =	sshll.u32 s1, $0x11  }
0xc9: {  	s0 =	sor.u32 s1, s0  }
0xca: {  	s0 =	sadd.s32 $0x8F2B, s0  }
0xcb: {  	[sflag:s0] =	ssyncadd.remote.s32 $0x1  }
0xcc: {  	_ =	sfence.sel $0xFFFF  }
0xcd: {  	[dreg:$0x0] =	wrdreg $0xFFFFFFFF;
	(pc) =	sbr.abs _section_cstart, $3  }
0xce: {  	[dreg:$0x1] =	wrdreg $0xFFFFFFFF  }
0xcf: {  	_ =	task.clear_ibuf [dreg:s22], $0x2FFFF;
	_ =	strace $0x9FFFFFFF  }
0xd0: {  	(tm) =	ssettm $0x7FFFFFFF  }
0xd1: {  	_ =	shalt  }
tec
execute0_lowered:
.L_overlay_start_1:
0x0: {  	(tag) =	ssettag $0x1  }
0x1: {  	s0 =	srdreg.scid;
	s5 =	rddreg [dreg:$0x0]  }
0x2: {  	s1 =	stileid.u32;
	s6 =	simm.s32 $0x1;
	s9 =	simm.s32 $0x1  }
0x3: {  	s10 =	simm.s32 $0x3;
	s13 =	simm.s32 $0x0;
	s2 =	sshll.u32 s0, $0x7  }
0x4: {  	s12 =	simm.s32 $0x0;
	s3 =	sshll.u32 s1, $0x8;
	s2 =	sand.u32 $0x80, s2  }
0x5: {  	s0 =	rddreg [dreg:$0x1];
	_ =	strace $0x8000004D;
	s2 =	sor.u32 s3, s2  }
0x6: {  	s4 =	sadd.s32 $0xA2000, s5;
	[sflag:s6] =	ssyncpa.u1 $0x0;
	s8 =	ssub.s32 $0x7A180, s2  }
.Ltmp0:
0x7: {  	s3 =	sadd.s32 $0xBAE00, s5;
	s7 =	sand.u32 $0xF80, s8;
	(pc) =	sbr.rel .LBB2_1-.Ltmp0, $4  }
0x8: {  	s5 =	sadd.s32 $0x135200, s5;
	s11 =	smov.u32 s2;
	p0 =	sne.s32 s7, $0x0  }
0x9: {  	s8 =	sshrl.u32 s8, $0xC;
	s7 =	simm.s32 $0x2;
	s9 =	simm.s32 @!p0 $0x0  }
0xa: {  	[sflag:s7] =	ssyncpa.u1 $0x0;
	p0 =	por $0x0, $0x0;
	s8 =	sadd.s32 s9, s8  }
0xb: {  	vm0 =	vmmov $0xffff;
	v0 =	vlaneseq.u32;
	[sflag:s10] =	ssyncpa.u1 $0x0;
	s10 =	simm.s32 $0x0;
	s9 =	sadd.s32 $0x1, s8  }
.LBB2_4:
0xc: {  	_ =	sdelay $0x3  }
0xd: {  	[tilespmem:s21], [sflag:$0x1] =	stream.indirect_vreg.gather [hbm4b:s3+s10], $0x1, v1, vm0, $0x4038;
	[tilespmem:$0x900] =	vst v63  }
0xe: {  	s15 =	sadd.s32 s17, s15  }
0xf: {  	v1 =	vld.msk [tilespmem:s15+$0x0 ss:$0x1], $0xffff;
	_ =	sdelay $0x4  }
0x10: {  	v2 =	vshrl.u32 v1, $0x11  }
0x11: {  	vm1 =	veq.s32 v1, $0x80000000;
	v1 =	vand.u32 $0x1FFFF, v1;
	v2 =	vand.u32 $0x7, v2  }
0x12: {  	p1 =	sgt.s32 s18, $0x0;
	v1 =	vsel vm1, $0xFFFFFFFF, v1;
	v2 =	vmul.u32 $0xC3800, v2  }
0x13: {  	s18 =	simm.s32 @!p1 $0x0;
	v3 =	vshll.u32 v1, $0x3  }
0x14: {  	s22 =	smin.u32 s18, $0x10;
	v3 =	vand.u32 $0xFFFFFC00, v3;
	v2 =	vsel vm1, $0xFFF3C800, v2  }
0x15: {  	v1 =	vand.u32 $0x7F, v1;
	v2 =	vadd.s32 v3, v2;
	v3 =	vmov s22  }
0x16: {  	v1 =	vor.u32 v1, v2;
	vm1 =	vgt.u32 v3, v0  }
0x17: {  	v2 =	vnsel vm1, $0x7FFFFFFF, v1;
	_ =	sdelay $0x1  }
0x18: {  	v3 =	vor.u32 $0x80, v1  }
0x19: {  	(ifvalue) =	ssetifvalue $0x7FFFFFFF;
	v3 =	vnsel vm1, $0x7FFFFFFF, v3  }
0x1a: {  	s23 =	sadd.s32 s17, s16;
	(ifvalue) =	ssetifvalue $0x7FFFFFFF  }
0x1b: {  	v4 =	vor.u32 $0x100, v1;
	[tilespmem:s23], [sflag:$0x1] =	stream.indirect_vreg.gather [hbm4b:s3+s10], $0x1, v2, vm0, $0x4038;
	[tilespmem:$0x900] =	vst v63  }
0x1c: {  	(ifvalue) =	ssetifvalue $0x7FFFFFFF;
	v2 =	vnsel vm1, $0x7FFFFFFF, v4  }
0x1d: {  	s16 =	sadd.s32 $0x80, s23;
	(ifvalue) =	ssetifvalue $0x7FFFFFFF  }
0x1e: {  	v60 =	vor.u32 $0x180, v1;
	[tilespmem:s16], [sflag:$0x1] =	stream.indirect_vreg.gather [hbm4b:s3+s10], $0x1, v3, vm0, $0x4038;
	[tilespmem:$0x900] =	vst v63  }
0x1f: {  	v3 =	vnsel vm1, $0x7FFFFFFF, v60;
	(ifvalue) =	ssetifvalue $0x7FFFFFFF  }
0x20: {  	s24 =	sadd.s32 $0x100, s23;
	(ifvalue) =	ssetifvalue $0x7FFFFFFF  }
0x21: {  	v61 =	vor.u32 $0x200, v1;
	[tilespmem:s24], [sflag:$0x1] =	stream.indirect_vreg.gather [hbm4b:s3+s10], $0x1, v2, vm0, $0x4038;
	[tilespmem:$0x900] =	vst v63  }
0x22: {  	(ifvalue) =	ssetifvalue $0x7FFFFFFF;
	v2 =	vnsel vm1, $0x7FFFFFFF, v61  }
0x23: {  	s25 =	sadd.s32 $0x180, s23;
	(ifvalue) =	ssetifvalue $0x7FFFFFFF  }
0x24: {  	v62 =	vor.u32 $0x280, v1;
	[tilespmem:s25], [sflag:$0x1] =	stream.indirect_vreg.gather [hbm4b:s3+s10], $0x1, v3, vm0, $0x4038;
	[tilespmem:$0x900] =	vst v63  }
0x25: {  	v3 =	vnsel vm1, $0x7FFFFFFF, v62;
	(ifvalue) =	ssetifvalue $0x7FFFFFFF  }
0x26: {  	s26 =	sadd.s32 $0x200, s23;
	(ifvalue) =	ssetifvalue $0x7FFFFFFF  }
0x27: {  	v63 =	vor.u32 $0x300, v1;
	[tilespmem:s26], [sflag:$0x1] =	stream.indirect_vreg.gather [hbm4b:s3+s10], $0x1, v2, vm0, $0x4038;
	[tilespmem:$0x900] =	vst v63  }
0x28: {  	(ifvalue) =	ssetifvalue $0x7FFFFFFF;
	v2 =	vnsel vm1, $0x7FFFFFFF, v63  }
0x29: {  	s28 =	sadd.s32 $0x280, s23;
	(ifvalue) =	ssetifvalue $0x7FFFFFFF  }
0x2a: {  	v1 =	vor.u32 $0x380, v1;
	[tilespmem:s28], [sflag:$0x1] =	stream.indirect_vreg.gather [hbm4b:s3+s10], $0x1, v3, vm0, $0x4038;
	[tilespmem:$0x900] =	vst v63  }
0x2b: {  	v1 =	vnsel vm1, $0x7FFFFFFF, v1;
	(ifvalue) =	ssetifvalue $0x7FFFFFFF  }
0x2c: {  	s29 =	sadd.s32 $0x300, s23;
	(ifvalue) =	ssetifvalue $0x7FFFFFFF  }
0x2d: {  	[tilespmem:s29], [sflag:$0x1] =	stream.indirect_vreg.gather [hbm4b:s3+s10], $0x1, v2, vm0, $0x4038;
	[tilespmem:$0x900] =	vst v63  }
0x2e: {  	(ifvalue) =	ssetifvalue $0x7FFFFFFF  }
0x2f: {  	s30 =	sshll.u32 s13, $0x3;
	s15 =	sadd.s32 $0x380, s23;
	(ifvalue) =	ssetifvalue $0x7FFFFFFF  }
0x30: {  	[tilespmem:s15], [sflag:$0x1] =	stream.indirect_vreg.gather [hbm4b:s3+s10], $0x1, v1, vm0, $0x4038;
	[tilespmem:$0x900] =	vst v63  }
0x31: {  	s31 =	sand.u32 $0x78, s13;
	s15 =	sand.u32 $0xFFFFFC00, s30  }
0x32: {  	_ =	swait.ge [sflag:s6], $0x400;
	s13 =	sor.u32 s31, s15  }
0x33: {  	[sflag:s6] =	ssyncset.done $0x0;
	s13 =	sshrl.u32 s13, $0x3  }
0x34: {  	[sflag:s6] =	ssyncadd.s32 $0xFFFFFC00;
	s13 =	sadd.s32 s5, s13  }
0x35: {  	[hbm:s13] =	stream.linear.scatter [tilespmem:s14], [sflag:$0x3], $0x400, $0x38;
	[tilespmem:$0x900] =	vst v63  }
.LBB2_5:
0x36: {  	s15 =	sadd.s32 $0x1000, s11  }
0x37: {  	p2 =	sgt.s32 s15, $0x7A17F  }
0x38: {  	s15 =	smov.u32 @p2 s2;
	p2 =	sne.s32 s12, s9  }
.Ltmp1:
0x39: {  	p1 =	slt.u32 s12, $0x2;
	(pc) =	sbr.rel @!p2 .LBB2_6-.Ltmp1, $4  }
0x3a: {  	s14 =	simm.s32 @!p1 $0x3  }
0x3b: {  	s16 =	sadd.s32 $0x1, s12;
	_ =	swait.ge @!p1 [sflag:s14], $0x400  }
0x3c: {  	s13 =	smov.u32 s11;
	p0 =	por !p0, !p0;
	[sflag:s14] =	ssyncset.done @!p1 $0x0  }
0x3d: {  	s12 =	smov.u32 s16;
	s11 =	smov.u32 s15;
	[sflag:s14] =	ssyncadd.s32 @!p1 $0xFFFFFC00  }
.LBB2_1:
0x3e: {  	p1 =	sge.u32 s12, s8  }
0x3f: {  	s14 =	sxor.u32 @!p1 $0xFFFFFFFF, s12  }
0x40: {  	s31 =	sadd.s32 $0xFFFFFFFF, s12;
	s15 =	sshrl.u32 @!p1 s11, $0x3;
	s14 =	sshll.u32 @!p1 s14, $0x7  }
0x41: {  	s16 =	sand.u32 @!p1 $0x7, s11;
	s15 =	sadd.s32 @!p1 s4, s15;
	s14 =	sand.u32 @!p1 $0x80, s14  }
0x42: {  	[tilespmem:s14], [sflag:$0x2] =	stream.linear.gather @!p1 [hbm4b:s15+s16], $0x80, $0x38;
	[tilespmem:$0x900] =	vst v63  }
0x43: {  	p1 =	sge.u32 s31, s8  }
.Ltmp2:
0x44: {  	_ = 	snop;
	(pc) =	sbr.rel @p1 .LBB2_5-.Ltmp2, $1  }
0x45: {  	_ =	sdelay $0x3  }
0x46: {  	s14 =	simm.s32 $0x1  }
0x47: {  	_ =	swait.ge [sflag:s7], $0x80;
	s14 =	simm.s32 @!p0 $0x0  }
0x48: {  	[sflag:s7] =	ssyncset.done $0x0;
	s15 =	sshll.u32 s14, $0x7  }
0x49: {  	[sflag:s7] =	ssyncadd.s32 $0xFFFFFF80;
	s16 =	sadd.s32 $0x0, s15  }
0x4a: {  	v1 =	vld.msk [tilespmem:s16+$0x0 ss:$0x1], $0xffff;
	_ =	sdelay $0x3  }
0x4b: {  	s18 =	ssub.s32 $0x7A120, s13  }
0x4c: {  	p1 =	slt.s32 s18, $0x80;
	v2 =	vshrl.u32 v1, $0x11  }
0x4d: {  	s18 =	simm.s32 @!p1 $0x80;
	vm1 =	veq.s32 v1, $0x80000000;
	v1 =	vand.u32 $0x1FFFF, v1;
	v2 =	vand.u32 $0x7, v2  }
0x4e: {  	p1 =	sgt.s32 s18, $0x0;
	s16 =	smov.u32 s18;
	v1 =	vsel vm1, $0xFFFFFFFF, v1;
	v2 =	vmul.u32 $0xC3800, v2  }
0x4f: {  	s16 =	simm.s32 @!p1 $0x0;
	v3 =	vshll.u32 v1, $0x3  }
0x50: {  	s16 =	smin.u32 s16, $0x10;
	v3 =	vand.u32 $0xFFFFFC00, v3;
	v2 =	vsel vm1, $0xFFF3C800, v2  }
0x51: {  	v1 =	vand.u32 $0x7F, v1;
	v2 =	vadd.s32 v3, v2;
	v3 =	vmov s16  }
0x52: {  	v1 =	vor.u32 v1, v2;
	vm1 =	vgt.u32 v3, v0  }
0x53: {  	v2 =	vnsel vm1, $0x7FFFFFFF, v1;
	_ =	sdelay $0x1  }
0x54: {  	s14 =	sshll.u32 s14, $0xA;
	v3 =	vor.u32 $0x80, v1  }
0x55: {  	(ifvalue) =	ssetifvalue $0x7FFFFFFF;
	s16 =	sor.u32 $0x100, s14;
	v3 =	vnsel vm1, $0x7FFFFFFF, v3  }
0x56: {  	(ifvalue) =	ssetifvalue $0x7FFFFFFF;
	s19 =	sadd.s32 $0x0, s16  }
0x57: {  	v4 =	vor.u32 $0x100, v1;
	[tilespmem:s19], [sflag:$0x1] =	stream.indirect_vreg.gather [hbm4b:s3+s10], $0x1, v2, vm0, $0x4038;
	[tilespmem:$0x900] =	vst v63  }
0x58: {  	(ifvalue) =	ssetifvalue $0x7FFFFFFF;
	v2 =	vnsel vm1, $0x7FFFFFFF, v4  }
0x59: {  	s25 =	sadd.s32 $0x80, s19;
	(ifvalue) =	ssetifvalue $0x7FFFFFFF  }
0x5a: {  	v60 =	vor.u32 $0x180, v1;
	[tilespmem:s25], [sflag:$0x1] =	stream.indirect_vreg.gather [hbm4b:s3+s10], $0x1, v3, vm0, $0x4038;
	[tilespmem:$0x900] =	vst v63  }
0x5b: {  	v3 =	vnsel vm1, $0x7FFFFFFF, v60;
	(ifvalue) =	ssetifvalue $0x7FFFFFFF  }
0x5c: {  	s26 =	sadd.s32 $0x100, s19;
	(ifvalue) =	ssetifvalue $0x7FFFFFFF  }
0x5d: {  	v61 =	vor.u32 $0x200, v1;
	[tilespmem:s26], [sflag:$0x1] =	stream.indirect_vreg.gather [hbm4b:s3+s10], $0x1, v2, vm0, $0x4038;
	[tilespmem:$0x900] =	vst v63  }
0x5e: {  	(ifvalue) =	ssetifvalue $0x7FFFFFFF;
	v2 =	vnsel vm1, $0x7FFFFFFF, v61  }
0x5f: {  	s28 =	sadd.s32 $0x180, s19;
	(ifvalue) =	ssetifvalue $0x7FFFFFFF  }
0x60: {  	v62 =	vor.u32 $0x280, v1;
	[tilespmem:s28], [sflag:$0x1] =	stream.indirect_vreg.gather [hbm4b:s3+s10], $0x1, v3, vm0, $0x4038;
	[tilespmem:$0x900] =	vst v63  }
0x61: {  	v3 =	vnsel vm1, $0x7FFFFFFF, v62;
	(ifvalue) =	ssetifvalue $0x7FFFFFFF  }
0x62: {  	s29 =	sadd.s32 $0x200, s19;
	(ifvalue) =	ssetifvalue $0x7FFFFFFF  }
0x63: {  	v63 =	vor.u32 $0x300, v1;
	[tilespmem:s29], [sflag:$0x1] =	stream.indirect_vreg.gather [hbm4b:s3+s10], $0x1, v2, vm0, $0x4038;
	[tilespmem:$0x900] =	vst v63  }
0x64: {  	(ifvalue) =	ssetifvalue $0x7FFFFFFF;
	v2 =	vnsel vm1, $0x7FFFFFFF, v63  }
0x65: {  	s17 =	sadd.s32 $0x280, s19;
	(ifvalue) =	ssetifvalue $0x7FFFFFFF  }
0x66: {  	v1 =	vor.u32 $0x380, v1;
	[tilespmem:s17], [sflag:$0x1] =	stream.indirect_vreg.gather [hbm4b:s3+s10], $0x1, v3, vm0, $0x4038;
	[tilespmem:$0x900] =	vst v63  }
0x67: {  	s30 =	sand.u32 $0x1, s12;
	s20 =	simm.s32 $0x80;
	v1 =	vnsel vm1, $0x7FFFFFFF, v1;
	(ifvalue) =	ssetifvalue $0x7FFFFFFF  }
0x68: {  	s14 =	sshll.u32 s30, $0xA;
	s31 =	sadd.s32 $0x300, s19;
	(ifvalue) =	ssetifvalue $0x7FFFFFFF  }
0x69: {  	[tilespmem:s31], [sflag:$0x1] =	stream.indirect_vreg.gather [hbm4b:s3+s10], $0x1, v2, vm0, $0x4038;
	[tilespmem:$0x900] =	vst v63  }
0x6a: {  	s18 =	sadd.s32 $0xFFFFFFF0, s18;
	s14 =	sor.u32 $0x100, s14;
	(ifvalue) =	ssetifvalue $0x7FFFFFFF  }
0x6b: {  	s21 =	sadd.s32 $0x380, s19;
	s17 =	simm.s32 $0x10;
	(ifvalue) =	ssetifvalue $0x7FFFFFFF  }
.LBB2_3:
0x6c: {  	[tilespmem:s21], [sflag:$0x1] =	stream.indirect_vreg.gather [hbm4b:s3+s10], $0x1, v1, vm0, $0x4038;
	[tilespmem:$0x900] =	vst v63  }
0x6d: {  	s19 =	smov.u32 s20  }
0x6e: {  	s22 =	sadd.s32 s17, s15;
	s21 =	sshra.s32 s19, $0x2;
	s19 =	sadd.s32 $0x40, s20  }
0x6f: {  	p1 =	sne.s32 s20, $0x1C0;
	v1 =	vld.msk [tilespmem:s22+$0x0 ss:$0x1], $0xffff  }
0x70: {  	(ifvalue) =	ssetifvalue $0x7FFFFFFF;
	_ =	sdelay $0x4  }
0x71: {  	v2 =	vshrl.u32 v1, $0x11  }
0x72: {  	vm1 =	veq.s32 v1, $0x80000000;
	v1 =	vand.u32 $0x1FFFF, v1;
	v2 =	vand.u32 $0x7, v2  }
0x73: {  	p2 =	sgt.s32 s18, $0x0;
	s20 =	smov.u32 s18;
	v1 =	vsel vm1, $0xFFFFFFFF, v1;
	v2 =	vmul.u32 $0xC3800, v2  }
0x74: {  	s20 =	simm.s32 @!p2 $0x0;
	v3 =	vshll.u32 v1, $0x3  }
0x75: {  	s20 =	smin.u32 s20, $0x10;
	v3 =	vand.u32 $0xFFFFFC00, v3;
	v2 =	vsel vm1, $0xFFF3C800, v2  }
0x76: {  	v1 =	vand.u32 $0x7F, v1;
	v2 =	vadd.s32 v3, v2;
	v3 =	vmov s20  }
0x77: {  	v1 =	vor.u32 v1, v2;
	vm1 =	vgt.u32 v3, v0  }
0x78: {  	v2 =	vnsel vm1, $0x7FFFFFFF, v1;
	v3 =	vor.u32 $0x80, v1;
	v4 =	vor.u32 $0x100, v1  }
0x79: {  	v5 =	vor.u32 $0x180, v1;
	v6 =	vor.u32 $0x200, v1;
	v7 =	vor.u32 $0x280, v1  }
0x7a: {  	v8 =	vor.u32 $0x300, v1;
	v1 =	vor.u32 $0x380, v1  }
0x7b: {  	v3 =	vnsel vm1, $0x7FFFFFFF, v3  }
0x7c: {  	s20 =	sadd.s32 s17, s16;
	s17 =	smov.u32 s21;
	(ifvalue) =	ssetifvalue $0x7FFFFFFF  }
0x7d: {  	[tilespmem:s20], [sflag:$0x1] =	stream.indirect_vreg.gather [hbm4b:s3+s10], $0x1, v2, vm0, $0x4038;
	[tilespmem:$0x900] =	vst v63  }
0x7e: {  	v2 =	vnsel vm1, $0x7FFFFFFF, v4;
	(ifvalue) =	ssetifvalue $0x7FFFFFFF  }
0x7f: {  	s21 =	sadd.s32 $0x80, s20;
	(ifvalue) =	ssetifvalue $0x7FFFFFFF  }
0x80: {  	[tilespmem:s21], [sflag:$0x1] =	stream.indirect_vreg.gather [hbm4b:s3+s10], $0x1, v3, vm0, $0x4038;
	[tilespmem:$0x900] =	vst v63  }
0x81: {  	v3 =	vnsel vm1, $0x7FFFFFFF, v5;
	(ifvalue) =	ssetifvalue $0x7FFFFFFF  }
0x82: {  	s21 =	sadd.s32 $0x100, s20;
	(ifvalue) =	ssetifvalue $0x7FFFFFFF  }
0x83: {  	[tilespmem:s21], [sflag:$0x1] =	stream.indirect_vreg.gather [hbm4b:s3+s10], $0x1, v2, vm0, $0x4038;
	[tilespmem:$0x900] =	vst v63  }
0x84: {  	v2 =	vnsel vm1, $0x7FFFFFFF, v6;
	(ifvalue) =	ssetifvalue $0x7FFFFFFF  }
0x85: {  	s21 =	sadd.s32 $0x180, s20;
	(ifvalue) =	ssetifvalue $0x7FFFFFFF  }
0x86: {  	[tilespmem:s21], [sflag:$0x1] =	stream.indirect_vreg.gather [hbm4b:s3+s10], $0x1, v3, vm0, $0x4038;
	[tilespmem:$0x900] =	vst v63  }
0x87: {  	v3 =	vnsel vm1, $0x7FFFFFFF, v7;
	(ifvalue) =	ssetifvalue $0x7FFFFFFF  }
0x88: {  	s21 =	sadd.s32 $0x200, s20;
	(ifvalue) =	ssetifvalue $0x7FFFFFFF  }
0x89: {  	[tilespmem:s21], [sflag:$0x1] =	stream.indirect_vreg.gather [hbm4b:s3+s10], $0x1, v2, vm0, $0x4038;
	[tilespmem:$0x900] =	vst v63  }
0x8a: {  	v2 =	vnsel vm1, $0x7FFFFFFF, v8;
	(ifvalue) =	ssetifvalue $0x7FFFFFFF  }
0x8b: {  	s21 =	sadd.s32 $0x280, s20;
	(ifvalue) =	ssetifvalue $0x7FFFFFFF  }
0x8c: {  	[tilespmem:s21], [sflag:$0x1] =	stream.indirect_vreg.gather [hbm4b:s3+s10], $0x1, v3, vm0, $0x4038;
	[tilespmem:$0x900] =	vst v63  }
.Ltmp3:
0x8d: {  	v1 =	vnsel vm1, $0x7FFFFFFF, v1;
	(ifvalue) =	ssetifvalue $0x7FFFFFFF;
	(pc) =	sbr.rel @p1 .LBB2_3-.Ltmp3, $4  }
0x8e: {  	s21 =	sadd.s32 $0x300, s20;
	(ifvalue) =	ssetifvalue $0x7FFFFFFF  }
0x8f: {  	[tilespmem:s21], [sflag:$0x1] =	stream.indirect_vreg.gather [hbm4b:s3+s10], $0x1, v2, vm0, $0x4038;
	[tilespmem:$0x900] =	vst v63  }
0x90: {  	s18 =	sadd.s32 $0xFFFFFFF0, s18;
	(ifvalue) =	ssetifvalue $0x7FFFFFFF  }
0x91: {  	s21 =	sadd.s32 $0x380, s20;
	s20 =	smov.u32 s19;
	(ifvalue) =	ssetifvalue $0x7FFFFFFF  }
.Ltmp4:
0x92: {  	_ = 	snop;
	(pc) =	sbr.rel .LBB2_4-.Ltmp4, $1  }
0x93: {  	_ =	sdelay $0x3  }
.LBB2_6:
0x94: {  	_ =	sfence.sel $0x180000  }
0x95: {  	s2 =	simm.s32 $0x2;
	[bflag:$0x0] =	sbarrier.arrive $0xFFFF  }
0x96: {  	s30 =	simm.s32 $0x3;
	[sflag:s2] =	ssyncpa.u1 $0x1  }
0x97: {  	s31 =	simm.s32 $0x1;
	[sflag:s30] =	ssyncpa.u1 $0x1  }
0x98: {  	[sflag:s31] =	ssyncpa.u1 $0x1  }
0x99: {  	p0 =	sne.s32 s1, $0x0;
	_ =	strace $0x9000004D  }
0x9a: {  	s0 =	sadd.s32 @!p0 $0x100000, s0;
	[bflag:$0x2] =	sbarrier.arrive $0xFFFF  }
0x9b: {  	[sflag:s0] =	ssyncadd.tile.s32 @!p0 $0x1;
	_ =	shalt  }
.Lfunc_end2:
_tile_overlayer_lowered:
.L_overlay_start_2:
0x9c: {  	(tag) =	ssettag $0x2  }
0x9d: {  	s0 =	rddreg [dreg:$0x0];
	s2 =	stileid.u32  }
0x9e: {  	s1 =	rddreg [dreg:$0x1];
	p0 =	sne.s32 s2, $0x0  }
0x9f: {  	s3 =	rddreg [dreg:$0x2];
	[bflag:$0x3] =	sbarrier.arrive $0xFFFF;
	s2 =	simm.s32 @!p0 $0x1C01  }
0xa0: {  	[timem:s3], [sflag:s2] =	dma.local @!p0 [hbm:s0], s1  }
0xa1: {  	s0 =	simm.s32 @!p0 $0x1  }
0xa2: {  	_ =	swait.ge @!p0 [sflag:s0], s1  }
0xa3: {  	s1 =	ssub.s32 @!p0 $0x0, s1;
	[sflag:s0] =	ssyncset.done @!p0 $0x0  }
0xa4: {  	[sflag:s0] =	ssyncadd.s32 @!p0 s1  }
0xa5: {  	[bflag:$0x3] =	sbarrier.arrive $0xFFFF  }
0xa6: {  	_ =	shalt  }

// kernel: gather_offload_async_start
scs
__scs_entry_jumppad:
0x0: {  	(pc) =	sbr.rel $0x88, $3  }
0x1: {  	(tag) =	ssettag $0x0;
	lr =	simm.s32 $0x1  }
0x2: {  	[smem:$0x3F9F] =	sst lr;
	_ =	strace $0xD0000000  }
0x3: {  	_ = 	snop  }
0x4: {  	_ = 	snop  }
0x5: {  	_ = 	snop  }
0x6: {  	_ = 	snop  }
0x7: {  	_ = 	snop  }
__scs_overlays_trampoline_lowered:
0x8: {  	[smem:$0x3FAE] =	sst s0  }
0x9: {  	[smem:$0x3FAF] =	sst s1  }
0xa: {  	[smem:$0x3FB0] =	sst s2  }
0xb: {  	[smem:$0x3FB1] =	sst s3  }
0xc: {  	[smem:$0x3FB2] =	sst s4  }
0xd: {  	[smem:$0x3FB3] =	sst s5  }
0xe: {  	[smem:$0x3FB4] =	sst s6  }
0xf: {  	[smem:$0x3FB5] =	sst s7  }
0x10: {  	[smem:$0x3FB6] =	sst s8  }
0x11: {  	[smem:$0x3FB7] =	sst s9;
	s0 =	simm.s32 @!p0 $0x0  }
0x12: {  	s1 =	sld [smem:$0x3F9D];
	s0 =	simm.s32 @p0 $0x1  }
0x13: {  	[smem:$0x3FB8] =	sst s0;
	s0 =	simm.s32 @!p1 $0x0  }
0x14: {  	s2 =	sld [smem:$0x3F9C];
	s0 =	simm.s32 @p1 $0x1  }
0x15: {  	[smem:$0x3FB9] =	sst s0;
	s0 =	simm.s32 @!p2 $0x0  }
0x16: {  	s3 =	sld [smem:$0x3FDB];
	s0 =	simm.s32 @p2 $0x1  }
0x17: {  	s4 =	simm.s32 $0x1BF5;
	[smem:$0x3FBB] =	sst s0  }
0x18: {  	s0 =	sld [smem:$0x3F9E];
	_ =	swait.ge [sflag:s4], $0x0  }
0x19: {  	s7 =	sld [smem:$0x3F9F]  }
0x1a: {  	s8 =	sadd.s32 $0xFFFFE003, lr  }
0x1b: {  	s9 =	sadd.s32 $0xFFFFFEF7, lr;
	s5 =	simm.s32 $0xFFFFFFFF;
	p2 =	slt.u32 s8, $0xFFFFF086  }
0x1c: {  	p1 =	slt.u32 s9, $0xF7A;
	s5 =	simm.s32 @!p2 $0x0  }
0x1d: {  	s5 =	simm.s32 @p1 $0x1;
	p0 =	seq.s32 s7, s2  }
0x1e: {  	s7 =	smul.u32 @!p0 $0xF7A, s2;
	p2 =	seq.s32 @!p0 s5, $0x0  }
0x1f: {  	s9 =	smul.u32 $0xF7A, s1;
	s8 =	simm.s32 @!p0 $0x1BF5;
	p2 =	por !p2, p0  }
0x20: {  	[sflag:s8] =	ssyncset.s32 @!p0 $0xFFFFF086;
	s6 =	sadd.s32 @!p0 s3, s7;
	s7 =	simm.s32 @!p0 $0x108  }
0x21: {  	s3 =	sadd.s32 s3, s9;
	s6 =	sadd.s32 @!p0 $0x88, s6;
	s7 =	simm.s32 @p2 $0x1082  }
0x22: {  	[simem:s7], [sflag:s8] =	dma.local @!p0 [hbm:s6], $0xF7A  }
0x23: {  	s9 =	sor.u32 $0xD0000000, s2;
	s6 =	simm.s32 $0x108;
	_ =	swait.ge @!p0 [sflag:s8], $0x0  }
0x24: {  	s3 =	sadd.s32 $0x88, s3;
	s6 =	simm.s32 @!p1 $0x1082;
	[sflag:s4] =	ssyncset.s32 $0xFFFFF086  }
0x25: {  	[simem:s6], [sflag:s4] =	dma.local [hbm:s3], $0xF7A  }
0x26: {  	[smem:$0x3F9F] =	sst s1;
	(tag) =	ssettag s2;
	_ =	strace s9  }
0x27: {  	s1 =	sld [smem:$0x3FAF]  }
0x28: {  	s2 =	sld [smem:$0x3FB0]  }
0x29: {  	s4 =	sld [smem:$0x3FB2]  }
0x2a: {  	p0 =	seq.s32 s5, $0x0;
	s5 =	sld [smem:$0x3FB3]  }
0x2b: {  	s6 =	sld [smem:$0x3FB4]  }
0x2c: {  	s7 =	sld [smem:$0x3FB5]  }
0x2d: {  	s3 =	simm.s32 $0x108;
	s8 =	sld [smem:$0x3FB6]  }
0x2e: {  	s3 =	simm.s32 @!p0 $0x1082;
	s9 =	sld [smem:$0x3FB7]  }
0x2f: {  	lr =	sadd.s32 s0, s3;
	s0 =	sld [smem:$0x3FAE]  }
0x30: {  	s3 =	sld [smem:$0x3FB1]  }
0x31: {  	[smem:$0x3FBA] =	sst s10  }
0x32: {  	s10 =	sld [smem:$0x3FB8];
	_ =	sdelay $0x3  }
0x33: {  	p0 =	seq.s32 s10, $0x1;
	s10 =	sld [smem:$0x3FBA];
	_ =	sdelay $0x3  }
0x34: {  	[smem:$0x3FBA] =	sst s10  }
0x35: {  	s10 =	sld [smem:$0x3FB9];
	_ =	sdelay $0x3  }
0x36: {  	p1 =	seq.s32 s10, $0x1;
	s10 =	sld [smem:$0x3FBA];
	_ =	sdelay $0x3  }
0x37: {  	[smem:$0x3FBA] =	sst s10  }
0x38: {  	s10 =	sld [smem:$0x3FBB]  }
0x39: {  	_ = 	snop;
	(pc) =	sbr.ind lr, $3  }
0x3a: {  	_ = 	snop  }
0x3b: {  	_ = 	snop  }
0x3c: {  	p2 =	seq.s32 s10, $0x1;
	s10 =	sld [smem:$0x3FBA]  }
0x3d: {  	_ =	shalt  }
0x3e: {  	_ =	shalt  }
0x3f: {  	_ =	shalt  }
0x40: {  	_ =	shalt  }
0x41: {  	_ =	shalt  }
0x42: {  	_ =	shalt  }
0x43: {  	_ =	shalt  }
0x44: {  	_ =	shalt  }
0x45: {  	_ =	shalt  }
0x46: {  	_ =	shalt  }
0x47: {  	_ =	shalt  }
0x48: {  	_ =	shalt  }
0x49: {  	_ =	shalt  }
0x4a: {  	_ =	shalt  }
0x4b: {  	_ =	shalt  }
0x4c: {  	_ =	shalt  }
0x4d: {  	_ =	shalt  }
0x4e: {  	_ =	shalt  }
0x4f: {  	_ =	shalt  }
0x50: {  	_ =	shalt  }
0x51: {  	_ =	shalt  }
0x52: {  	_ =	shalt  }
0x53: {  	_ =	shalt  }
0x54: {  	_ =	shalt  }
0x55: {  	_ =	shalt  }
0x56: {  	_ =	shalt  }
0x57: {  	_ =	shalt  }
0x58: {  	_ =	shalt  }
0x59: {  	_ =	shalt  }
0x5a: {  	_ =	shalt  }
0x5b: {  	_ =	shalt  }
0x5c: {  	_ =	shalt  }
0x5d: {  	_ =	shalt  }
0x5e: {  	_ =	shalt  }
0x5f: {  	_ =	shalt  }
0x60: {  	_ =	shalt  }
0x61: {  	_ =	shalt  }
0x62: {  	_ =	shalt  }
0x63: {  	_ =	shalt  }
0x64: {  	_ =	shalt  }
0x65: {  	_ =	shalt  }
0x66: {  	_ =	shalt  }
0x67: {  	_ =	shalt  }
0x68: {  	_ =	shalt  }
0x69: {  	_ =	shalt  }
0x6a: {  	_ =	shalt  }
0x6b: {  	_ =	shalt  }
0x6c: {  	_ =	shalt  }
0x6d: {  	_ =	shalt  }
0x6e: {  	_ =	shalt  }
0x6f: {  	_ =	shalt  }
0x70: {  	_ =	shalt  }
0x71: {  	_ =	shalt  }
0x72: {  	_ =	shalt  }
0x73: {  	_ =	shalt  }
0x74: {  	_ =	shalt  }
0x75: {  	_ =	shalt  }
0x76: {  	_ =	shalt  }
0x77: {  	_ =	shalt  }
0x78: {  	_ =	shalt  }
0x79: {  	_ =	shalt  }
0x7a: {  	_ =	shalt  }
0x7b: {  	_ =	shalt  }
0x7c: {  	_ =	shalt  }
0x7d: {  	_ =	shalt  }
0x7e: {  	_ =	shalt  }
0x7f: {  	_ =	shalt  }
0x80: {  	_ =	shalt  }
0x81: {  	_ =	shalt  }
0x82: {  	_ =	shalt  }
0x83: {  	_ =	shalt  }
0x84: {  	_ =	shalt  }
0x85: {  	_ =	shalt  }
0x86: {  	_ =	shalt  }
0x87: {  	_ =	shalt  }
.Lfunc_end0:
.L_simem_size_0:
called_computation.1_lowered:
.L_overlay_start_0:
0x88: {  	s2 =	sld [smem:$0x3FD9]  }
0x89: {  	s3 =	sld [smem:$0x3FFE];
	_ =	sdelay $0x1  }
0x8a: {  	s1 =	srdreg.scid  }
0x8b: {  	s0 =	sand.u32 $0x1, s1  }
0x8c: {  	s16 =	sshll.u32 s0, $0xA;
	s2 =	sadd.s32 s3, s2  }
0x8d: {  	s2 =	sadd.s32 s2, s16  }
0x8e: {  	[smem:$0x3FC6] =	sst s2  }
0x8f: {  	_ = 	snop  }
0x90: {  	(tm) =	ssettm $0x1  }
0x91: {  	s17 =	sld [smem:$0x3FFB];
	_ =	sdelay $0x3  }
0x92: {  	_ =	strace s17  }
0x93: {  	s2 =	sld [smem:$0x3FFC];
	_ =	sdelay $0x3  }
0x94: {  	_ =	strace s2  }
0x95: {  	s2 =	sld [smem:$0x3FFD];
	_ =	sdelay $0x3  }
0x96: {  	_ =	strace s2  }
0x97: {  	_ =	strace $0x8FFFFFFF  }
0x98: {  	s18 =	sld [smem:$0x3FDB];
	_ =	sdelay $0x1  }
0x99: {  	s19 =	simm.s32 $_scs_section_size  }
0x9a: {  	s4 =	simm.s32 $_size__tile_overlayer_lowered;
	s5 =	simm.s32 $_tile_overlayer_lowered  }
0x9b: {  	s22 =	simm.s32 $0x1BFF;
	s21 =	sshll.u32 s5, $0x1;
	s2 =	sadd.s32 s19, s18  }
0x9c: {  	s6 =	simm.s32 $0x0;
	s20 =	sshll.u32 s4, $0x1;
	s4 =	sadd.s32 s21, s2  }
0x9d: {  	[timem:s6], [sflag:s22] =	dma.local [hbm:s4], s20  }
0x9e: {  	_ =	swait.ge [sflag:s22], s20  }
0x9f: {  	s3 =	ssub.s32 $0x0, s20;
	[sflag:s22] =	ssyncset.done $0x0  }
0xa0: {  	[sflag:s22] =	ssyncadd.s32 s3;
	_ =	sdelay $0x1  }
0xa1: {  	s23 =	simm.s32 $0x1B8B  }
0xa2: {  	_ =	swait.ge [sflag:s23], $0x1  }
0xa3: {  	[sflag:s23] =	ssyncset.done $0x0  }
0xa4: {  	s25 =	simm.s32 $0x1B8E;
	s24 =	sld [smem:$0x3FFE];
	[sflag:s23] =	ssyncadd.s32 $0xFFFFFFFF  }
0xa5: {  	s26 =	simm.s32 $execute0_lowered;
	[smem:$0x3FD2] =	sst s25  }
0xa6: {  	s4 =	sshll.u32 s26, $0x1;
	_ =	strace $0x80000046;
	[dreg:$0x1] =	wrdreg $0xFFFFFFFF  }
0xa7: {  	s28 =	simm.s32 $_size_execute0_lowered;
	s2 =	sadd.s32 s2, s4;
	[dreg:$0x0] =	wrdreg $0x0  }
0xa8: {  	s4 =	sshll.u32 s28, $0x1;
	[dreg:$0x2] =	wrdreg s2  }
0xa9: {  	[dreg:$0x3] =	wrdreg s4  }
0xaa: {  	[dreg:$0x4] =	wrdreg $0xC0  }
0xab: {  	_ =	task [dreg:s6], $0x5FFFF  }
0xac: {  	[dreg:$0x1] =	wrdreg $0xFFFFFFFF  }
0xad: {  	[dreg:$0x0] =	wrdreg $0x60  }
0xae: {  	[dreg:$0x2] =	wrdreg s24  }
0xaf: {  	[dreg:$0x3] =	wrdreg $0x9  }
0xb0: {  	_ =	task.clear_ibuf [dreg:s6], $0x4FFFF;
	_ =	strace $0x90000046  }
0xb1: {  	s29 =	simm.s32 $0x9;
	_ =	strace $0x80000048  }
0xb2: {  	_ =	swait.ge [sflag:s29], $0x1  }
0xb3: {  	[sflag:s29] =	ssyncadd.s32 $0xFFFFFFFF  }
0xb4: {  	_ =	strace $0x90000048  }
0xb5: {  	_ =	sfence  }
0xb6: {  	s30 =	sld [smem:$0x0];
	_ =	sdelay $0x2  }
0xb7: {  	s31 =	sshll.u32 s1, $0xD;
	s1 =	sshrl.u32 s1, $0x2  }
0xb8: {  	s3 =	sand.u32 $0x4000, s31;
	s1 =	sadd.s32 s1, s30  }
0xb9: {  	s0 =	sor.u32 s3, s0;
	s1 =	sshll.u32 s1, $0x11  }
0xba: {  	s0 =	sor.u32 s1, s0  }
0xbb: {  	s0 =	sadd.s32 $0x8F2B, s0  }
0xbc: {  	[sflag:s0] =	ssyncadd.remote.s32 $0x1  }
0xbd: {  	_ =	sfence.sel $0xFFFF  }
0xbe: {  	[dreg:$0x0] =	wrdreg $0xFFFFFFFF;
	(pc) =	sbr.abs _section_cstart, $3  }
0xbf: {  	[dreg:$0x1] =	wrdreg $0xFFFFFFFF  }
0xc0: {  	_ =	task.clear_ibuf [dreg:s6], $0x2FFFF;
	_ =	strace $0x9FFFFFFF  }
0xc1: {  	(tm) =	ssettm $0x7FFFFFFF  }
tec
execute0_lowered:
.L_overlay_start_1:
0x0: {  	(tag) =	ssettag $0x1  }
0x1: {  	s8 =	rddreg [dreg:$0x0];
	s1 =	stileid.u32  }
0x2: {  	s2 =	srdreg.scid;
	s0 =	rddreg [dreg:$0x1]  }
0x3: {  	_ =	strace $0x80000047;
	s5 =	simm.s32 $0x1;
	s9 =	simm.s32 $0x1  }
0x4: {  	s10 =	simm.s32 $0x3;
	s2 =	sand.u32 $0x1, s2;
	s3 =	sshll.u32 s1, $0x1  }
0x5: {  	s13 =	simm.s32 $0x0;
	s12 =	simm.s32 $0x0;
	s6 =	sor.u32 s3, s2  }
0x6: {  	[sflag:s5] =	ssyncpa.u1 $0x0;
	s2 =	sadd.s32 $0x1A28200, s8;
	s4 =	smul.u32 $0x2710, s6  }
0x7: {  	s3 =	sadd.s32 $0xAB800, s8;
	p0 =	slt.u32 s6, $0x13;
	s6 =	simm.s32 $0x4E200  }
.Ltmp0:
0x8: {  	s6 =	simm.s32 @!p0 $0x0;
	s7 =	ssub.s32 $0x7A120, s4;
	(pc) =	sbr.rel .LBB2_1-.Ltmp0, $4  }
0x9: {  	s9 =	simm.s32 @!p0 $0x0;
	p0 =	sne.s32 s7, s6;
	s7 =	simm.s32 $0x1  }
0xa: {  	s8 =	sadd.s32 $0x30E00, s8;
	s6 =	simm.s32 $0x2;
	s7 =	simm.s32 @!p0 $0x0  }
0xb: {  	s11 =	smov.u32 s4;
	[sflag:s6] =	ssyncpa.u1 $0x0;
	s7 =	sadd.s32 s9, s7  }
0xc: {  	vm0 =	vmmov $0xffff;
	[sflag:s10] =	ssyncpa.u1 $0x0;
	s10 =	simm.s32 $0x0;
	s9 =	sadd.s32 $0x1, s7  }
.LBB2_4:
0xd: {  	v5 =	vshrl.u32 v1, $0x11;
	v6 =	vshll.u32 v1, $0x7  }
0xe: {  	vm1 =	veq.s32 v1, $0x80000000;
	v58 =	vand.u32 $0x7, v5;
	v59 =	vand.u32 $0xFFFF80, v6  }
0xf: {  	v1 =	vsel vm1, $0xFFFFFFFF, v58;
	v5 =	vsel vm1, $0xFFFFFF80, v59  }
0x10: {  	v3 =	vor.u32 v4, v3;
	v60 =	vand.u32 $0xFFFFFC00, v5;
	v61 =	vand.u32 $0xFFFFFC00, v1  }
0x11: {  	v2 =	vor.u32 v2, v3;
	v63 =	vand.u32 $0x380, v5;
	v62 =	vadd.s32 v61, v60  }
0x12: {  	v1 =	vand.u32 $0x7F, v1;
	v3 =	vor.u32 v63, v62  }
0x13: {  	v1 =	vor.u32 v1, v3  }
0x14: {  	[tilespmem:s17], [sflag:$0x1] =	stream.indirect_vreg.gather [hbm4b:s2+s10], $0x1, v0, vm0, $0x4038;
	[tilespmem:$0x9C40] =	vst v63  }
0x15: {  	(ifvalue) =	ssetifvalue $0x7FFFFFFF  }
0x16: {  	[tilespmem:s15], [sflag:$0x1] =	stream.indirect_vreg.gather [hbm4b:s2+s10], $0x1, v2, vm0, $0x4038;
	[tilespmem:$0x9C40] =	vst v63  }
0x17: {  	s29 =	sadd.s32 $0x10, s15;
	(ifvalue) =	ssetifvalue $0x7FFFFFFF  }
0x18: {  	[tilespmem:s29], [sflag:$0x1] =	stream.indirect_vreg.gather [hbm4b:s2+s10], $0x1, v1, vm0, $0x4038;
	[tilespmem:$0x9C40] =	vst v63  }
0x19: {  	_ =	swait.ge [sflag:s5], $0x2710  }
0x1a: {  	s30 =	sshrl.u32 s13, $0x3;
	[sflag:s5] =	ssyncset.done $0x0  }
0x1b: {  	s31 =	sand.u32 $0x7, s13;
	s15 =	sadd.s32 s8, s30;
	[sflag:s5] =	ssyncadd.s32 $0xFFFFD8F0  }
0x1c: {  	[hbm4b:s15+s31] =	stream.linear.scatter [tilespmem:s14], [sflag:$0x3], $0x2710, $0x38;
	[tilespmem:$0x9C40] =	vst v63  }
.LBB2_5:
0x1d: {  	s15 =	sadd.s32 $0x4E200, s11  }
0x1e: {  	p1 =	sgt.s32 s15, $0x7A11F  }
0x1f: {  	s15 =	smov.u32 @p1 s4;
	p1 =	sne.s32 s12, s9  }
.Ltmp1:
0x20: {  	p0 =	slt.u32 s12, $0x2;
	(pc) =	sbr.rel @!p1 .LBB2_6-.Ltmp1, $4  }
0x21: {  	s14 =	simm.s32 @!p0 $0x3  }
0x22: {  	_ =	swait.ge @!p0 [sflag:s14], $0x2710  }
0x23: {  	s16 =	sadd.s32 $0x1, s12;
	s13 =	smov.u32 s11;
	[sflag:s14] =	ssyncset.done @!p0 $0x0  }
0x24: {  	s12 =	smov.u32 s16;
	s11 =	smov.u32 s15;
	[sflag:s14] =	ssyncadd.s32 @!p0 $0xFFFFD8F0  }
.LBB2_1:
0x25: {  	p0 =	sge.u32 s12, s7  }
0x26: {  	s14 =	sxor.u32 @!p0 $0x1, s12  }
0x27: {  	s14 =	smul.u32 @!p0 $0x9C40, s14  }
0x28: {  	s31 =	sadd.s32 $0xFFFFFFFF, s12;
	s15 =	sshrl.u32 @!p0 s11, $0x3  }
0x29: {  	s16 =	sand.u32 @!p0 $0x7, s11;
	s15 =	sadd.s32 @!p0 s3, s15;
	s14 =	sshra.s32 @!p0 s14, $0x2  }
0x2a: {  	[tilespmem:s14], [sflag:$0x2] =	stream.linear.gather @!p0 [hbm4b:s15+s16], $0x2710, $0x38;
	[tilespmem:$0x9C40] =	vst v63  }
0x2b: {  	p0 =	sge.u32 s31, s7  }
.Ltmp2:
0x2c: {  	_ = 	snop;
	(pc) =	sbr.rel @p0 .LBB2_5-.Ltmp2, $1  }
0x2d: {  	_ =	sdelay $0x3  }
0x2e: {  	s14 =	sand.u32 $0x1, s12  }
0x2f: {  	_ =	swait.ge [sflag:s6], $0x2710;
	p0 =	seq.s32 s14, $0x1;
	s14 =	simm.s32 $0x2710  }
0x30: {  	[sflag:s6] =	ssyncset.done $0x0;
	s14 =	simm.s32 @!p0 $0x0  }
0x31: {  	[sflag:s6] =	ssyncadd.s32 $0xFFFFD8F0;
	(ifvalue) =	ssetifvalue $0x7FFFFFFF;
	v0 =	vld.msk [tilespmem:s14+$0x0 ss:$0x1], $0xffff;
	_ =	sdelay $0x4  }
0x32: {  	s15 =	sadd.s32 $0x10, s14;
	v2 =	vshrl.u32 v0, $0x11;
	v3 =	vshll.u32 v0, $0x7  }
0x33: {  	v1 =	vld.msk [tilespmem:s15+$0x0 ss:$0x1], $0xffff;
	vm1 =	veq.s32 v0, $0x80000000;
	v0 =	vand.u32 $0x7, v2;
	v2 =	vand.u32 $0xFFFF80, v3  }
0x34: {  	v0 =	vsel vm1, $0xFFFFFFFF, v0;
	v2 =	vsel vm1, $0xFFFFFF80, v2  }
0x35: {  	v3 =	vand.u32 $0xFFFFFC00, v2;
	v4 =	vand.u32 $0xFFFFFC00, v0  }
0x36: {  	v2 =	vand.u32 $0x380, v2;
	v3 =	vadd.s32 v4, v3  }
0x37: {  	v0 =	vand.u32 $0x7F, v0;
	v2 =	vor.u32 v2, v3  }
0x38: {  	v5 =	vshll.u32 v1, $0x7;
	v4 =	vshrl.u32 v1, $0x11;
	v0 =	vor.u32 v0, v2  }
0x39: {  	vm1 =	veq.s32 v1, $0x80000000;
	v1 =	vand.u32 $0x7, v4;
	v4 =	vand.u32 $0xFFFF80, v5  }
0x3a: {  	s14 =	sadd.s32 $0x4E20, s14;
	s15 =	sadd.s32 $0x10, s15;
	v3 =	vsel vm1, $0xFFFFFFFF, v1;
	v4 =	vsel vm1, $0xFFFFFF80, v4  }
0x3b: {  	s16 =	simm.s32 $0x20;
	s17 =	smov.u32 s14;
	v1 =	vld.msk [tilespmem:s15+$0x0 ss:$0x1], $0xffff;
	v5 =	vand.u32 $0xFFFFFC00, v4;
	v6 =	vand.u32 $0xFFFFFC00, v3  }
0x3c: {  	s18 =	sadd.s32 $0x10, s15;
	(ifvalue) =	ssetifvalue $0x7FFFFFFF;
	s15 =	sadd.s32 $0x10, s14;
	v2 =	vand.u32 $0x7F, v3;
	v4 =	vand.u32 $0x380, v4;
	v3 =	vadd.s32 v6, v5  }
.LBB2_3:
0x3d: {  	[tilespmem:s17], [sflag:$0x1] =	stream.indirect_vreg.gather [hbm4b:s2+s10], $0x1, v0, vm0, $0x4038;
	[tilespmem:$0x9C40] =	vst v63  }
0x3e: {  	s16 =	sadd.s32 $0x10, s16  }
0x3f: {  	v3 =	vor.u32 v4, v3;
	p0 =	slt.u32 s16, $0x2700  }
.Ltmp3:
0x40: {  	v4 =	vshrl.u32 v1, $0x11;
	v5 =	vshll.u32 v1, $0x7;
	s17 =	smov.u32 s15;
	v0 =	vor.u32 v2, v3;
	v2 =	vmovc v1;
	v1 =	vld.msk [tilespmem:s18+$0x0 ss:$0x1], $0xffff;
	(pc) =	sbr.rel @p0 .LBB2_3-.Ltmp3, $4  }
0x41: {  	v3 =	vand.u32 $0xFFFF80, v5;
	vm1 =	veq.s32 v2, $0x80000000;
	v2 =	vand.u32 $0x7, v4  }
0x42: {  	v4 =	vsel vm1, $0xFFFFFFFF, v2;
	v5 =	vsel vm1, $0xFFFFFF80, v3  }
0x43: {  	v2 =	vand.u32 $0x7F, v4;
	v3 =	vand.u32 $0xFFFFFC00, v5;
	v4 =	vand.u32 $0xFFFFFC00, v4  }
0x44: {  	s15 =	sadd.s32 $0x10, s15;
	s18 =	sadd.s32 $0x10, s18;
	v3 =	vadd.s32 v4, v3;
	v4 =	vand.u32 $0x380, v5;
	(ifvalue) =	ssetifvalue $0x7FFFFFFF  }
.Ltmp4:
0x45: {  	_ = 	snop;
	(pc) =	sbr.rel .LBB2_4-.Ltmp4, $1  }
0x46: {  	_ =	sdelay $0x3  }
.LBB2_6:
0x47: {  	_ =	sfence.sel $0x180000  }
0x48: {  	s2 =	simm.s32 $0x2;
	[bflag:$0x0] =	sbarrier.arrive $0xFFFF  }
0x49: {  	s30 =	simm.s32 $0x3;
	[sflag:s2] =	ssyncpa.u1 $0x1  }
0x4a: {  	s31 =	simm.s32 $0x1;
	[sflag:s30] =	ssyncpa.u1 $0x1  }
0x4b: {  	[sflag:s31] =	ssyncpa.u1 $0x1  }
0x4c: {  	p0 =	sne.s32 s1, $0x0;
	_ =	strace $0x90000047  }
0x4d: {  	s0 =	sadd.s32 @!p0 $0x100000, s0;
	[bflag:$0x2] =	sbarrier.arrive $0xFFFF  }
0x4e: {  	[sflag:s0] =	ssyncadd.tile.s32 @!p0 $0x1;
	_ =	shalt  }
.Lfunc_end2:
_tile_overlayer_lowered:
.L_overlay_start_2:
0x4f: {  	(tag) =	ssettag $0x2  }
0x50: {  	s0 =	rddreg [dreg:$0x0];
	s2 =	stileid.u32  }
0x51: {  	s1 =	rddreg [dreg:$0x1];
	p0 =	sne.s32 s2, $0x0  }
0x52: {  	s3 =	rddreg [dreg:$0x2];
	[bflag:$0x3] =	sbarrier.arrive $0xFFFF;
	s2 =	simm.s32 @!p0 $0x1C01  }
0x53: {  	[timem:s3], [sflag:s2] =	dma.local @!p0 [hbm:s0], s1  }
0x54: {  	s0 =	simm.s32 @!p0 $0x1  }
0x55: {  	_ =	swait.ge @!p0 [sflag:s0], s1  }
0x56: {  	s1 =	ssub.s32 @!p0 $0x0, s1;
	[sflag:s0] =	ssyncset.done @!p0 $0x0  }
0x57: {  	[sflag:s0] =	ssyncadd.s32 @!p0 s1  }
0x58: {  	[bflag:$0x3] =	sbarrier.arrive $0xFFFF  }
0x59: {  	_ =	shalt  }

// kernel: kernel.3.cloned.1.call-start
scs
__scs_entry_jumppad:
0x0: {  	(pc) =	sbr.rel $0x88, $3  }
0x1: {  	(tag) =	ssettag $0x0;
	lr =	simm.s32 $0x1  }
0x2: {  	[smem:$0x3F9F] =	sst lr;
	_ =	strace $0xD0000000  }
0x3: {  	_ = 	snop  }
0x4: {  	_ = 	snop  }
0x5: {  	_ = 	snop  }
0x6: {  	_ = 	snop  }
0x7: {  	_ = 	snop  }
__scs_overlays_trampoline_lowered:
0x8: {  	[smem:$0x3FAE] =	sst s0  }
0x9: {  	[smem:$0x3FAF] =	sst s1  }
0xa: {  	[smem:$0x3FB0] =	sst s2  }
0xb: {  	[smem:$0x3FB1] =	sst s3  }
0xc: {  	[smem:$0x3FB2] =	sst s4  }
0xd: {  	[smem:$0x3FB3] =	sst s5  }
0xe: {  	[smem:$0x3FB4] =	sst s6  }
0xf: {  	[smem:$0x3FB5] =	sst s7  }
0x10: {  	[smem:$0x3FB6] =	sst s8  }
0x11: {  	[smem:$0x3FB7] =	sst s9;
	s0 =	simm.s32 @!p0 $0x0  }
0x12: {  	s1 =	sld [smem:$0x3F9D];
	s0 =	simm.s32 @p0 $0x1  }
0x13: {  	[smem:$0x3FB8] =	sst s0;
	s0 =	simm.s32 @!p1 $0x0  }
0x14: {  	s2 =	sld [smem:$0x3F9C];
	s0 =	simm.s32 @p1 $0x1  }
0x15: {  	[smem:$0x3FB9] =	sst s0;
	s0 =	simm.s32 @!p2 $0x0  }
0x16: {  	s3 =	sld [smem:$0x3FDB];
	s0 =	simm.s32 @p2 $0x1  }
0x17: {  	s4 =	simm.s32 $0x1BF5;
	[smem:$0x3FBB] =	sst s0  }
0x18: {  	s0 =	sld [smem:$0x3F9E];
	_ =	swait.ge [sflag:s4], $0x0  }
0x19: {  	s7 =	sld [smem:$0x3F9F]  }
0x1a: {  	s8 =	sadd.s32 $0xFFFFE003, lr  }
0x1b: {  	s9 =	sadd.s32 $0xFFFFFEF7, lr;
	s5 =	simm.s32 $0xFFFFFFFF;
	p2 =	slt.u32 s8, $0xFFFFF086  }
0x1c: {  	p1 =	slt.u32 s9, $0xF7A;
	s5 =	simm.s32 @!p2 $0x0  }
0x1d: {  	s5 =	simm.s32 @p1 $0x1;
	p0 =	seq.s32 s7, s2  }
0x1e: {  	s7 =	smul.u32 @!p0 $0xF7A, s2;
	p2 =	seq.s32 @!p0 s5, $0x0  }
0x1f: {  	s9 =	smul.u32 $0xF7A, s1;
	s8 =	simm.s32 @!p0 $0x1BF5;
	p2 =	por !p2, p0  }
0x20: {  	[sflag:s8] =	ssyncset.s32 @!p0 $0xFFFFF086;
	s6 =	sadd.s32 @!p0 s3, s7;
	s7 =	simm.s32 @!p0 $0x108  }
0x21: {  	s3 =	sadd.s32 s3, s9;
	s6 =	sadd.s32 @!p0 $0x88, s6;
	s7 =	simm.s32 @p2 $0x1082  }
0x22: {  	[simem:s7], [sflag:s8] =	dma.local @!p0 [hbm:s6], $0xF7A  }
0x23: {  	s9 =	sor.u32 $0xD0000000, s2;
	s6 =	simm.s32 $0x108;
	_ =	swait.ge @!p0 [sflag:s8], $0x0  }
0x24: {  	s3 =	sadd.s32 $0x88, s3;
	s6 =	simm.s32 @!p1 $0x1082;
	[sflag:s4] =	ssyncset.s32 $0xFFFFF086  }
0x25: {  	[simem:s6], [sflag:s4] =	dma.local [hbm:s3], $0xF7A  }
0x26: {  	[smem:$0x3F9F] =	sst s1;
	(tag) =	ssettag s2;
	_ =	strace s9  }
0x27: {  	s1 =	sld [smem:$0x3FAF]  }
0x28: {  	s2 =	sld [smem:$0x3FB0]  }
0x29: {  	s4 =	sld [smem:$0x3FB2]  }
0x2a: {  	p0 =	seq.s32 s5, $0x0;
	s5 =	sld [smem:$0x3FB3]  }
0x2b: {  	s6 =	sld [smem:$0x3FB4]  }
0x2c: {  	s7 =	sld [smem:$0x3FB5]  }
0x2d: {  	s3 =	simm.s32 $0x108;
	s8 =	sld [smem:$0x3FB6]  }
0x2e: {  	s3 =	simm.s32 @!p0 $0x1082;
	s9 =	sld [smem:$0x3FB7]  }
0x2f: {  	lr =	sadd.s32 s0, s3;
	s0 =	sld [smem:$0x3FAE]  }
0x30: {  	s3 =	sld [smem:$0x3FB1]  }
0x31: {  	[smem:$0x3FBA] =	sst s10  }
0x32: {  	s10 =	sld [smem:$0x3FB8];
	_ =	sdelay $0x3  }
0x33: {  	p0 =	seq.s32 s10, $0x1;
	s10 =	sld [smem:$0x3FBA];
	_ =	sdelay $0x3  }
0x34: {  	[smem:$0x3FBA] =	sst s10  }
0x35: {  	s10 =	sld [smem:$0x3FB9];
	_ =	sdelay $0x3  }
0x36: {  	p1 =	seq.s32 s10, $0x1;
	s10 =	sld [smem:$0x3FBA];
	_ =	sdelay $0x3  }
0x37: {  	[smem:$0x3FBA] =	sst s10  }
0x38: {  	s10 =	sld [smem:$0x3FBB]  }
0x39: {  	_ = 	snop;
	(pc) =	sbr.ind lr, $3  }
0x3a: {  	_ = 	snop  }
0x3b: {  	_ = 	snop  }
0x3c: {  	p2 =	seq.s32 s10, $0x1;
	s10 =	sld [smem:$0x3FBA]  }
0x3d: {  	_ =	shalt  }
0x3e: {  	_ =	shalt  }
0x3f: {  	_ =	shalt  }
0x40: {  	_ =	shalt  }
0x41: {  	_ =	shalt  }
0x42: {  	_ =	shalt  }
0x43: {  	_ =	shalt  }
0x44: {  	_ =	shalt  }
0x45: {  	_ =	shalt  }
0x46: {  	_ =	shalt  }
0x47: {  	_ =	shalt  }
0x48: {  	_ =	shalt  }
0x49: {  	_ =	shalt  }
0x4a: {  	_ =	shalt  }
0x4b: {  	_ =	shalt  }
0x4c: {  	_ =	shalt  }
0x4d: {  	_ =	shalt  }
0x4e: {  	_ =	shalt  }
0x4f: {  	_ =	shalt  }
0x50: {  	_ =	shalt  }
0x51: {  	_ =	shalt  }
0x52: {  	_ =	shalt  }
0x53: {  	_ =	shalt  }
0x54: {  	_ =	shalt  }
0x55: {  	_ =	shalt  }
0x56: {  	_ =	shalt  }
0x57: {  	_ =	shalt  }
0x58: {  	_ =	shalt  }
0x59: {  	_ =	shalt  }
0x5a: {  	_ =	shalt  }
0x5b: {  	_ =	shalt  }
0x5c: {  	_ =	shalt  }
0x5d: {  	_ =	shalt  }
0x5e: {  	_ =	shalt  }
0x5f: {  	_ =	shalt  }
0x60: {  	_ =	shalt  }
0x61: {  	_ =	shalt  }
0x62: {  	_ =	shalt  }
0x63: {  	_ =	shalt  }
0x64: {  	_ =	shalt  }
0x65: {  	_ =	shalt  }
0x66: {  	_ =	shalt  }
0x67: {  	_ =	shalt  }
0x68: {  	_ =	shalt  }
0x69: {  	_ =	shalt  }
0x6a: {  	_ =	shalt  }
0x6b: {  	_ =	shalt  }
0x6c: {  	_ =	shalt  }
0x6d: {  	_ =	shalt  }
0x6e: {  	_ =	shalt  }
0x6f: {  	_ =	shalt  }
0x70: {  	_ =	shalt  }
0x71: {  	_ =	shalt  }
0x72: {  	_ =	shalt  }
0x73: {  	_ =	shalt  }
0x74: {  	_ =	shalt  }
0x75: {  	_ =	shalt  }
0x76: {  	_ =	shalt  }
0x77: {  	_ =	shalt  }
0x78: {  	_ =	shalt  }
0x79: {  	_ =	shalt  }
0x7a: {  	_ =	shalt  }
0x7b: {  	_ =	shalt  }
0x7c: {  	_ =	shalt  }
0x7d: {  	_ =	shalt  }
0x7e: {  	_ =	shalt  }
0x7f: {  	_ =	shalt  }
0x80: {  	_ =	shalt  }
0x81: {  	_ =	shalt  }
0x82: {  	_ =	shalt  }
0x83: {  	_ =	shalt  }
0x84: {  	_ =	shalt  }
0x85: {  	_ =	shalt  }
0x86: {  	_ =	shalt  }
0x87: {  	_ =	shalt  }
.Lfunc_end0:
.L_simem_size_0:
called_computation.3_lowered:
.L_overlay_start_0:
0x88: {  	s2 =	sld [smem:$0x3FD9]  }
0x89: {  	s3 =	sld [smem:$0x3FFE];
	_ =	sdelay $0x1  }
0x8a: {  	s1 =	srdreg.scid  }
0x8b: {  	s0 =	sand.u32 $0x1, s1  }
0x8c: {  	s17 =	sshll.u32 s0, $0xA;
	s2 =	sadd.s32 s3, s2  }
0x8d: {  	s2 =	sadd.s32 s2, s17  }
0x8e: {  	[smem:$0x3FC6] =	sst s2  }
0x8f: {  	_ = 	snop  }
0x90: {  	s2 =	sld [smem:$0x3FD0];
	(tm) =	ssettm $0x1  }
0x91: {  	s18 =	sld [smem:$0x3FFB];
	_ =	sdelay $0x3  }
0x92: {  	_ =	strace s18  }
0x93: {  	s3 =	sld [smem:$0x3FFC];
	_ =	sdelay $0x3  }
0x94: {  	_ =	strace s3  }
0x95: {  	s3 =	sld [smem:$0x3FFD];
	_ =	sdelay $0x3  }
0x96: {  	_ =	strace s3  }
0x97: {  	_ =	strace $0x8FFFFFFF  }
0x98: {  	s19 =	sld [smem:$0x3FDB];
	_ =	sdelay $0x1  }
0x99: {  	s4 =	simm.s32 $_scs_section_size  }
0x9a: {  	s5 =	simm.s32 $_size__tile_overlayer_lowered;
	s6 =	simm.s32 $_tile_overlayer_lowered  }
0x9b: {  	s22 =	simm.s32 $0x1BFF;
	s21 =	sshll.u32 s6, $0x1;
	s3 =	sadd.s32 s4, s19  }
0x9c: {  	s7 =	simm.s32 $0x0;
	s20 =	sshll.u32 s5, $0x1;
	s5 =	sadd.s32 s21, s3  }
0x9d: {  	[timem:s7], [sflag:s22] =	dma.local [hbm:s5], s20  }
0x9e: {  	_ =	swait.ge [sflag:s22], s20  }
0x9f: {  	s4 =	ssub.s32 $0x0, s20;
	[sflag:s22] =	ssyncset.done $0x0  }
0xa0: {  	[sflag:s22] =	ssyncadd.s32 s4;
	_ =	sdelay $0x1  }
0xa1: {  	s23 =	simm.s32 $0x1B8B  }
0xa2: {  	_ =	swait.ge [sflag:s23], $0x1  }
0xa3: {  	[sflag:s23] =	ssyncset.done $0x0  }
0xa4: {  	s25 =	simm.s32 $0x1B8E;
	s24 =	sld [smem:$0x3FFE];
	[sflag:s23] =	ssyncadd.s32 $0xFFFFFFFF  }
0xa5: {  	s26 =	simm.s32 $execute0_lowered;
	[smem:$0x3FD2] =	sst s25  }
0xa6: {  	s5 =	sshll.u32 s26, $0x1;
	_ =	strace $0x8000004F;
	[dreg:$0x1] =	wrdreg $0xFFFFFFFF  }
0xa7: {  	s28 =	simm.s32 $_size_execute0_lowered;
	s3 =	sadd.s32 s3, s5;
	[dreg:$0x0] =	wrdreg $0x0  }
0xa8: {  	s5 =	sshll.u32 s28, $0x1;
	[dreg:$0x2] =	wrdreg s3  }
0xa9: {  	[dreg:$0x3] =	wrdreg s5  }
0xaa: {  	[dreg:$0x4] =	wrdreg $0xC0  }
0xab: {  	_ =	task [dreg:s7], $0x5FFFF  }
0xac: {  	[dreg:$0x1] =	wrdreg $0xFFFFFFFF  }
0xad: {  	[dreg:$0x0] =	wrdreg $0x60  }
0xae: {  	[dreg:$0x2] =	wrdreg s24  }
0xaf: {  	[dreg:$0x3] =	wrdreg s2  }
0xb0: {  	[dreg:$0x4] =	wrdreg $0x9  }
0xb1: {  	_ =	task.clear_ibuf [dreg:s7], $0x5FFFF;
	_ =	strace $0x9000004F  }
0xb2: {  	s29 =	simm.s32 $0x9;
	_ =	strace $0x80000051  }
0xb3: {  	_ =	swait.ge [sflag:s29], $0x1  }
0xb4: {  	[sflag:s29] =	ssyncadd.s32 $0xFFFFFFFF  }
0xb5: {  	_ =	strace $0x90000051  }
0xb6: {  	_ =	sfence  }
0xb7: {  	s30 =	sld [smem:$0x0];
	_ =	sdelay $0x2  }
0xb8: {  	s31 =	sshll.u32 s1, $0xD;
	s1 =	sshrl.u32 s1, $0x2  }
0xb9: {  	s3 =	sand.u32 $0x4000, s31;
	s1 =	sadd.s32 s1, s30  }
0xba: {  	s0 =	sor.u32 s3, s0;
	s1 =	sshll.u32 s1, $0x11  }
0xbb: {  	s0 =	sor.u32 s1, s0  }
0xbc: {  	s0 =	sadd.s32 $0x8F2B, s0  }
0xbd: {  	[sflag:s0] =	ssyncadd.remote.s32 $0x1  }
0xbe: {  	_ =	sfence.sel $0xFFFF  }
0xbf: {  	[dreg:$0x0] =	wrdreg $0xFFFFFFFF;
	(pc) =	sbr.abs _section_cstart, $3  }
0xc0: {  	[dreg:$0x1] =	wrdreg $0xFFFFFFFF  }
0xc1: {  	_ =	task.clear_ibuf [dreg:s7], $0x2FFFF;
	_ =	strace $0x9FFFFFFF  }
0xc2: {  	(tm) =	ssettm $0x7FFFFFFF  }
0xc3: {  	_ =	shalt  }
tec
execute0_lowered:
.L_overlay_start_1:
0x0: {  	(tag) =	ssettag $0x1  }
0x1: {  	s13 =	rddreg [dreg:$0x0]  }
0x2: {  	s2 =	rddreg [dreg:$0x1];
	s0 =	simm.s32 $0x0  }
0x3: {  	s30 =	srdreg.scid;
	s7 =	stileid.u32;
	s16 =	simm.s32 $0x2  }
0x4: {  	s18 =	simm.s32 $0x80;
	s20 =	simm.s32 $0x3000;
	[smem:$0x7FF] =	sst s0  }
0x5: {  	s19 =	simm.s32 $0x1;
	s4 =	sadd.s32 $0x18CE00, s13;
	s5 =	sadd.s32 $0x189C00, s13  }
0x6: {  	s6 =	sadd.s32 $0x186A00, s13;
	s8 =	sadd.s32 $0x1B2600, s13;
	s0 =	sand.u32 $0x1, s30  }
0x7: {  	s9 =	sadd.s32 $0x1BB000, s13;
	s10 =	sadd.s32 $0x1B7E00, s13;
	s1 =	ssub.s32 $0x2, s0  }
0x8: {  	s11 =	sadd.s32 $0x1AF400, s13;
	s7 =	sshll.u32 s7, $0x1;
	s3 =	sshrl.u32 s1, $0x1  }
0x9: {  	s12 =	sadd.s32 $0x1A59200, s13;
	s13 =	sadd.s32 $0x1A28200, s13;
	s1 =	ssub.s32 s1, s3  }
0xa: {  	_ =	strace $0x80000050;
	s0 =	sor.u32 s0, s7;
	s31 =	smax.u32 s1, $0x1  }
0xb: {  	s14 =	smul.u32 $0x31, s0;
	s1 =	simm.s32 $0x0;
	[dreg:$0x3] =	wrdreg s31  }
.LBB2_1:
0xc: {  	[dreg:$0x4] =	wrdreg s1;
	s22 =	simm.s32 $0x0  }
.LBB2_2:
0xd: {  	s0 =	sadd.s32 s14, s22  }
0xe: {  	s23 =	sshll.u32 s0, $0x7  }
0xf: {  	s24 =	simm.s32 $0x0;
	s0 =	sadd.s32 s12, s23  }
0x10: {  	[tilespmem:s24], [sflag:$0x2] =	stream.linear.gather [hbm4b:s0+s24], $0x400, $0x38;
	[tilespmem:$0x3400] =	vst v63  }
0x11: {  	_ =	swait.ge [sflag:s16], $0x400  }
0x12: {  	[sflag:s16] =	ssyncset.done $0x0  }
0x13: {  	s1 =	simm.s32 $0x400;
	s3 =	sadd.s32 s13, s23;
	[sflag:s16] =	ssyncadd.s32 $0xFFFFFC00  }
0x14: {  	[tilespmem:s1], [sflag:$0x2] =	stream.linear.gather [hbm4b:s3+s24], $0x400, $0x38;
	[tilespmem:$0x3400] =	vst v63  }
0x15: {  	_ =	swait.ge [sflag:s16], $0x400  }
0x16: {  	[sflag:s16] =	ssyncset.done $0x0  }
0x17: {  	s7 =	simm.s32 $0x800;
	s0 =	simm.s32 $0x0;
	[sflag:s16] =	ssyncadd.s32 $0xFFFFFC00  }
0x18: {  	[tilespmem:s7], [sflag:$0x1] =	stream.indirect.gather [hbm4b:s4+s18], $0x1, s0, s18, $0xb8;
	[tilespmem:$0x3400] =	vst v63  }
0x19: {  	s15 =	simm.s32 $0xC00  }
0x1a: {  	[tilespmem:s15], [sflag:$0x1] =	stream.indirect.gather [hbm4b:s5+s18], $0x1, s0, s18, $0xb8;
	[tilespmem:$0x3400] =	vst v63  }
0x1b: {  	s17 =	simm.s32 $0x1000  }
0x1c: {  	[tilespmem:s17], [sflag:$0x1] =	stream.indirect.gather [hbm4b:s6+s18], $0x1, s0, s18, $0xb8;
	[tilespmem:$0x3400] =	vst v63  }
0x1d: {  	s21 =	simm.s32 $0x1400  }
0x1e: {  	[tilespmem:s21], [sflag:$0x1] =	stream.indirect.gather [hbm4b:s8+s18], $0x1, s0, s18, $0xb8;
	[tilespmem:$0x3400] =	vst v63  }
0x1f: {  	s25 =	simm.s32 $0x1800  }
0x20: {  	[tilespmem:s25], [sflag:$0x1] =	stream.indirect.gather [hbm4b:s2+s18], $0x1, s0, s18, $0xb8;
	[tilespmem:$0x3400] =	vst v63  }
0x21: {  	s26 =	simm.s32 $0x1C00  }
0x22: {  	[tilespmem:s26], [sflag:$0x1] =	stream.indirect.gather [hbm4b:s9+s18], $0x1, s0, s18, $0xb8;
	[tilespmem:$0x3400] =	vst v63  }
0x23: {  	s28 =	simm.s32 $0x2000  }
0x24: {  	[tilespmem:s28], [sflag:$0x1] =	stream.indirect.gather [hbm4b:s10+s18], $0x1, s0, s18, $0xb8;
	[tilespmem:$0x3400] =	vst v63  }
0x25: {  	s29 =	simm.s32 $0x2400;
	s3 =	simm.s32 $0x400  }
0x26: {  	[tilespmem:s29], [sflag:$0x1] =	stream.indirect.gather [hbm4b:s9+s18], $0x1, s3, s18, $0xb8;
	[tilespmem:$0x3400] =	vst v63  }
0x27: {  	s30 =	simm.s32 $0x2800  }
0x28: {  	[tilespmem:s30], [sflag:$0x1] =	stream.indirect.gather [hbm4b:s10+s18], $0x1, s3, s18, $0xb8;
	[tilespmem:$0x3400] =	vst v63  }
0x29: {  	s31 =	simm.s32 $0x2C00  }
0x2a: {  	[tilespmem:s31], [sflag:$0x1] =	stream.indirect.gather [hbm4b:s11+s18], $0x1, s0, s18, $0xb8;
	[tilespmem:$0x3400] =	vst v63  }
0x2b: {  	_ =	swait.ge [sflag:s19], $0x80  }
0x2c: {  	[sflag:s19] =	ssyncset.done $0x0  }
0x2d: {  	[sflag:s19] =	ssyncadd.s32 $0xFFFFFF80  }
0x2e: {  	_ =	swait.ge [sflag:s19], $0x80  }
0x2f: {  	[sflag:s19] =	ssyncset.done $0x0  }
0x30: {  	[sflag:s19] =	ssyncadd.s32 $0xFFFFFF80  }
0x31: {  	_ =	swait.ge [sflag:s19], $0x80  }
0x32: {  	[sflag:s19] =	ssyncset.done $0x0  }
0x33: {  	[sflag:s19] =	ssyncadd.s32 $0xFFFFFF80  }
0x34: {  	_ =	swait.ge [sflag:s19], $0x80  }
0x35: {  	[sflag:s19] =	ssyncset.done $0x0  }
0x36: {  	[sflag:s19] =	ssyncadd.s32 $0xFFFFFF80  }
0x37: {  	_ =	swait.ge [sflag:s19], $0x80  }
0x38: {  	[sflag:s19] =	ssyncset.done $0x0  }
0x39: {  	[sflag:s19] =	ssyncadd.s32 $0xFFFFFF80  }
0x3a: {  	_ =	swait.ge [sflag:s19], $0x80  }
0x3b: {  	[sflag:s19] =	ssyncset.done $0x0  }
0x3c: {  	[sflag:s19] =	ssyncadd.s32 $0xFFFFFF80  }
0x3d: {  	_ =	swait.ge [sflag:s19], $0x80  }
0x3e: {  	[sflag:s19] =	ssyncset.done $0x0  }
0x3f: {  	[sflag:s19] =	ssyncadd.s32 $0xFFFFFF80  }
0x40: {  	_ =	swait.ge [sflag:s19], $0x80  }
0x41: {  	[sflag:s19] =	ssyncset.done $0x0  }
0x42: {  	[sflag:s19] =	ssyncadd.s32 $0xFFFFFF80  }
0x43: {  	_ =	swait.ge [sflag:s19], $0x80  }
0x44: {  	[sflag:s19] =	ssyncset.done $0x0  }
0x45: {  	[sflag:s19] =	ssyncadd.s32 $0xFFFFFF80  }
0x46: {  	_ =	swait.ge [sflag:s19], $0x80  }
0x47: {  	s7 =	simm.s32 $0x400;
	s3 =	simm.s32 $0x80;
	[sflag:s19] =	ssyncset.done $0x0  }
.LBB2_3:
0x48: {  	s15 =	sadd.s32 $0x800, s3  }
0x49: {  	[sflag:s19] =	ssyncadd.s32 $0xFFFFFF80;
	s1 =	smov.u32 s7;
	s0 =	sadd.s32 $0x200, s7  }
0x4a: {  	[tilespmem:s15], [sflag:$0x1] =	stream.indirect.gather [hbm4b:s4+s18], $0x1, s3, s18, $0xb8;
	[tilespmem:$0x3400] =	vst v63  }
0x4b: {  	p0 =	sne.s32 s7, $0xE00;
	s7 =	sadd.s32 $0xC00, s3  }
0x4c: {  	[tilespmem:s7], [sflag:$0x1] =	stream.indirect.gather [hbm4b:s5+s18], $0x1, s3, s18, $0xb8;
	[tilespmem:$0x3400] =	vst v63  }
0x4d: {  	s7 =	sadd.s32 $0x1000, s3  }
0x4e: {  	[tilespmem:s7], [sflag:$0x1] =	stream.indirect.gather [hbm4b:s6+s18], $0x1, s3, s18, $0xb8;
	[tilespmem:$0x3400] =	vst v63  }
0x4f: {  	s7 =	sadd.s32 $0x1400, s3  }
0x50: {  	[tilespmem:s7], [sflag:$0x1] =	stream.indirect.gather [hbm4b:s8+s18], $0x1, s3, s18, $0xb8;
	[tilespmem:$0x3400] =	vst v63  }
0x51: {  	s7 =	sadd.s32 $0x1800, s3  }
0x52: {  	[tilespmem:s7], [sflag:$0x1] =	stream.indirect.gather [hbm4b:s2+s18], $0x1, s3, s18, $0xb8;
	[tilespmem:$0x3400] =	vst v63  }
0x53: {  	s7 =	sadd.s32 $0x1C00, s3  }
0x54: {  	[tilespmem:s7], [sflag:$0x1] =	stream.indirect.gather [hbm4b:s9+s18], $0x1, s3, s18, $0xb8;
	[tilespmem:$0x3400] =	vst v63  }
0x55: {  	s7 =	sadd.s32 $0x2000, s3  }
0x56: {  	[tilespmem:s7], [sflag:$0x1] =	stream.indirect.gather [hbm4b:s10+s18], $0x1, s3, s18, $0xb8;
	[tilespmem:$0x3400] =	vst v63  }
0x57: {  	s15 =	sadd.s32 $0x400, s3;
	s7 =	sadd.s32 $0x2400, s3  }
0x58: {  	[tilespmem:s7], [sflag:$0x1] =	stream.indirect.gather [hbm4b:s9+s18], $0x1, s15, s18, $0xb8;
	[tilespmem:$0x3400] =	vst v63  }
0x59: {  	s7 =	sadd.s32 $0x2800, s3  }
0x5a: {  	[tilespmem:s7], [sflag:$0x1] =	stream.indirect.gather [hbm4b:s10+s18], $0x1, s15, s18, $0xb8;
	[tilespmem:$0x3400] =	vst v63  }
0x5b: {  	s7 =	sadd.s32 $0x2C00, s3  }
0x5c: {  	[tilespmem:s7], [sflag:$0x1] =	stream.indirect.gather [hbm4b:s11+s18], $0x1, s3, s18, $0xb8;
	[tilespmem:$0x3400] =	vst v63  }
0x5d: {  	_ =	swait.ge [sflag:s19], $0x80  }
0x5e: {  	[sflag:s19] =	ssyncset.done $0x0  }
0x5f: {  	[sflag:s19] =	ssyncadd.s32 $0xFFFFFF80  }
0x60: {  	_ =	swait.ge [sflag:s19], $0x80  }
0x61: {  	[sflag:s19] =	ssyncset.done $0x0  }
0x62: {  	[sflag:s19] =	ssyncadd.s32 $0xFFFFFF80  }
0x63: {  	_ =	swait.ge [sflag:s19], $0x80  }
0x64: {  	[sflag:s19] =	ssyncset.done $0x0  }
0x65: {  	[sflag:s19] =	ssyncadd.s32 $0xFFFFFF80  }
0x66: {  	_ =	swait.ge [sflag:s19], $0x80  }
0x67: {  	[sflag:s19] =	ssyncset.done $0x0  }
0x68: {  	[sflag:s19] =	ssyncadd.s32 $0xFFFFFF80  }
0x69: {  	_ =	swait.ge [sflag:s19], $0x80  }
0x6a: {  	[sflag:s19] =	ssyncset.done $0x0  }
0x6b: {  	[sflag:s19] =	ssyncadd.s32 $0xFFFFFF80  }
0x6c: {  	_ =	swait.ge [sflag:s19], $0x80  }
0x6d: {  	[sflag:s19] =	ssyncset.done $0x0  }
0x6e: {  	[sflag:s19] =	ssyncadd.s32 $0xFFFFFF80  }
0x6f: {  	_ =	swait.ge [sflag:s19], $0x80  }
0x70: {  	[sflag:s19] =	ssyncset.done $0x0  }
0x71: {  	[sflag:s19] =	ssyncadd.s32 $0xFFFFFF80  }
0x72: {  	_ =	swait.ge [sflag:s19], $0x80  }
0x73: {  	[sflag:s19] =	ssyncset.done $0x0  }
0x74: {  	[sflag:s19] =	ssyncadd.s32 $0xFFFFFF80  }
.Ltmp0:
0x75: {  	_ =	swait.ge [sflag:s19], $0x80;
	(pc) =	sbr.rel @p0 .LBB2_3-.Ltmp0, $4  }
0x76: {  	[sflag:s19] =	ssyncset.done $0x0  }
0x77: {  	[sflag:s19] =	ssyncadd.s32 $0xFFFFFF80  }
0x78: {  	_ =	swait.ge [sflag:s19], $0x80  }
0x79: {  	s3 =	sshra.s32 s1, $0x2;
	s7 =	smov.u32 s0;
	[sflag:s19] =	ssyncset.done $0x0  }
0x7a: {  	s0 =	sadd.s32 $0x800, s3;
	[sflag:s19] =	ssyncadd.s32 $0xFFFFFF80  }
0x7b: {  	[tilespmem:s0], [sflag:$0x1] =	stream.indirect.gather [hbm4b:s4+s18], $0x1, s3, s18, $0xb8;
	[tilespmem:$0x3400] =	vst v63  }
0x7c: {  	s25 =	sadd.s32 $0xC00, s3  }
0x7d: {  	[tilespmem:s25], [sflag:$0x1] =	stream.indirect.gather [hbm4b:s5+s18], $0x1, s3, s18, $0xb8;
	[tilespmem:$0x3400] =	vst v63  }
0x7e: {  	s26 =	sadd.s32 $0x1000, s3  }
0x7f: {  	[tilespmem:s26], [sflag:$0x1] =	stream.indirect.gather [hbm4b:s6+s18], $0x1, s3, s18, $0xb8;
	[tilespmem:$0x3400] =	vst v63  }
0x80: {  	s1 =	sadd.s32 $0x1400, s3  }
0x81: {  	[tilespmem:s1], [sflag:$0x1] =	stream.indirect.gather [hbm4b:s8+s18], $0x1, s3, s18, $0xb8;
	[tilespmem:$0x3400] =	vst v63  }
0x82: {  	s7 =	sadd.s32 $0x1800, s3  }
0x83: {  	[tilespmem:s7], [sflag:$0x1] =	stream.indirect.gather [hbm4b:s2+s18], $0x1, s3, s18, $0xb8;
	[tilespmem:$0x3400] =	vst v63  }
0x84: {  	s15 =	sadd.s32 $0x1C00, s3  }
0x85: {  	[tilespmem:s15], [sflag:$0x1] =	stream.indirect.gather [hbm4b:s9+s18], $0x1, s3, s18, $0xb8;
	[tilespmem:$0x3400] =	vst v63  }
0x86: {  	s17 =	sadd.s32 $0x2000, s3  }
0x87: {  	[tilespmem:s17], [sflag:$0x1] =	stream.indirect.gather [hbm4b:s10+s18], $0x1, s3, s18, $0xb8;
	[tilespmem:$0x3400] =	vst v63  }
0x88: {  	s21 =	sadd.s32 $0x2400, s3;
	s1 =	sadd.s32 $0x400, s3  }
0x89: {  	[tilespmem:s21], [sflag:$0x1] =	stream.indirect.gather [hbm4b:s9+s18], $0x1, s1, s18, $0xb8;
	[tilespmem:$0x3400] =	vst v63  }
0x8a: {  	s25 =	sadd.s32 $0x2800, s3  }
0x8b: {  	[tilespmem:s25], [sflag:$0x1] =	stream.indirect.gather [hbm4b:s10+s18], $0x1, s1, s18, $0xb8;
	[tilespmem:$0x3400] =	vst v63  }
0x8c: {  	s26 =	sadd.s32 $0x2C00, s3  }
0x8d: {  	[tilespmem:s26], [sflag:$0x1] =	stream.indirect.gather [hbm4b:s11+s18], $0x1, s3, s18, $0xb8;
	[tilespmem:$0x3400] =	vst v63  }
0x8e: {  	_ =	swait.ge [sflag:s19], $0x80  }
0x8f: {  	[sflag:s19] =	ssyncset.done $0x0  }
0x90: {  	[sflag:s19] =	ssyncadd.s32 $0xFFFFFF80  }
0x91: {  	_ =	swait.ge [sflag:s19], $0x80  }
0x92: {  	[sflag:s19] =	ssyncset.done $0x0  }
0x93: {  	[sflag:s19] =	ssyncadd.s32 $0xFFFFFF80  }
0x94: {  	_ =	swait.ge [sflag:s19], $0x80  }
0x95: {  	[sflag:s19] =	ssyncset.done $0x0  }
0x96: {  	[sflag:s19] =	ssyncadd.s32 $0xFFFFFF80  }
0x97: {  	_ =	swait.ge [sflag:s19], $0x80  }
0x98: {  	[sflag:s19] =	ssyncset.done $0x0  }
0x99: {  	[sflag:s19] =	ssyncadd.s32 $0xFFFFFF80  }
0x9a: {  	_ =	swait.ge [sflag:s19], $0x80  }
0x9b: {  	[sflag:s19] =	ssyncset.done $0x0  }
0x9c: {  	[sflag:s19] =	ssyncadd.s32 $0xFFFFFF80  }
0x9d: {  	_ =	swait.ge [sflag:s19], $0x80  }
0x9e: {  	[sflag:s19] =	ssyncset.done $0x0  }
0x9f: {  	[sflag:s19] =	ssyncadd.s32 $0xFFFFFF80  }
0xa0: {  	_ =	swait.ge [sflag:s19], $0x80  }
0xa1: {  	[sflag:s19] =	ssyncset.done $0x0  }
0xa2: {  	[sflag:s19] =	ssyncadd.s32 $0xFFFFFF80  }
0xa3: {  	_ =	swait.ge [sflag:s19], $0x80  }
0xa4: {  	[sflag:s19] =	ssyncset.done $0x0  }
0xa5: {  	[sflag:s19] =	ssyncadd.s32 $0xFFFFFF80  }
0xa6: {  	s28 =	simm.s32 $0x1800;
	_ =	swait.ge [sflag:s19], $0x80  }
0xa7: {  	s29 =	simm.s32 $0x1400;
	s30 =	simm.s32 $0x1000;
	[sflag:s19] =	ssyncset.done $0x0  }
0xa8: {  	s31 =	simm.s32 $0xC00;
	s0 =	simm.s32 $0x800;
	[sflag:s19] =	ssyncadd.s32 $0xFFFFFF80  }
0xa9: {  	s7 =	simm.s32 $0x2000;
	s15 =	simm.s32 $0x2800;
	_ =	swait.ge [sflag:s19], $0x80  }
0xaa: {  	s21 =	simm.s32 $0x1C00;
	s25 =	simm.s32 $0x3000;
	[sflag:s19] =	ssyncset.done $0x0  }
0xab: {  	s26 =	simm.s32 $0x2C00;
	s3 =	simm.s32 $0x2400;
	[sflag:s19] =	ssyncadd.s32 $0xFFFFFF80  }
.LBB2_5:
0xac: {  	v3 =	vmov s21  }
0xad: {  	v4 =	vmov s3  }
0xae: {  	v6 =	vmov s7  }
0xaf: {  	v7 =	vmov s15  }
0xb0: {  	s1 =	simm.s32 $0x0;
	v8 =	vmov s0  }
0xb1: {  	v9 =	vmov s31;
	v11 =	vld.idx.msk [tilespmem:v3+s1+$0x0 ss:$0x1], $0xffff  }
0xb2: {  	v10 =	vmov s30;
	v5 =	vmov s29;
	v12 =	vld.idx.msk [tilespmem:v4+s1+$0x0 ss:$0x1], $0xffff  }
0xb3: {  	v2 =	vmov s28;
	v1 =	vmov s26;
	v0 =	vmov s25;
	s17 =	simm.s32 $0x40;
	v13 =	vld.idx.msk [tilespmem:v6+s1+$0x0 ss:$0x1], $0xffff  }
.LBB2_6:
0xb4: {  	p0 =	sne.s32 s17, $0x1C0;
	v14 =	vld.idx.msk [tilespmem:v7+s1+$0x0 ss:$0x1], $0xffff  }
0xb5: {  	v15 =	vld.idx.msk [tilespmem:v8+s1+$0x0 ss:$0x1], $0xffff  }
0xb6: {  	v16 =	vld.idx.msk [tilespmem:v9+s1+$0x0 ss:$0x1], $0xffff;
	_ =	sdelay $0x1  }
0xb7: {  	v17 =	vld.idx.msk [tilespmem:v10+s1+$0x0 ss:$0x1], $0xffff  }
0xb8: {  	v11 =	vsub.f32 v12, v11  }
0xb9: {  	v12 =	vsub.f32 v14, v13;
	v13 =	vld.idx.msk [tilespmem:v5+s1+$0x0 ss:$0x1], $0xffff  }
0xba: {  	v14 =	vmul.f32 v15, v11  }
0xbb: {  	v15 =	vmul.f32 v16, v12;
	v16 =	vmul.f32 v12, v11;
	v18 =	vld.idx.msk [tilespmem:v2+s1+$0x0 ss:$0x1], $0xffff;
	_ =	sdelay $0x1  }
0xbc: {  	v11 =	vmul.f32 v11, v11;
	v14 =	vadd.f32 v15, v14;
	v15 =	vmul.f32 v17, v16;
	_ =	sdelay $0x1  }
0xbd: {  	v12 =	vmul.f32 v12, v12;
	v14 =	vadd.f32 v15, v14;
	v11 =	vmul.f32 v13, v11;
	v13 =	vld.idx.msk [tilespmem:v1+s1+$0x0 ss:$0x1], $0xffff;
	_ =	sdelay $0x1  }
0xbe: {  	v11 =	vadd.f32 v11, v14;
	v12 =	vmul.f32 v18, v12;
	_ =	sdelay $0x1  }
0xbf: {  	v11 =	vadd.f32 v12, v11;
	_ =	sdelay $0x1  }
0xc0: {  	v11 =	vmul.f32 v11, v13;
	_ =	sdelay $0x1  }
0xc1: {  	v11 =	vmax.f32 v11, $-5.000000000e+03  }
.Ltmp1:
0xc2: {  	v11 =	vmin.f32 v11, $5.000000000e+03;
	(pc) =	sbr.rel @p0 .LBB2_6-.Ltmp1, $4  }
0xc3: {  	[tilespmem:v0+s1+$0x0 ss:$0x1] =	vst.idx.msk $0xffff, v11;
	s1 =	sshra.s32 s17, $0x2  }
0xc4: {  	v11 =	vld.idx.msk [tilespmem:v3+s1+$0x0 ss:$0x1], $0xffff  }
0xc5: {  	v12 =	vld.idx.msk [tilespmem:v4+s1+$0x0 ss:$0x1], $0xffff  }
0xc6: {  	s17 =	sadd.s32 $0x40, s17;
	v13 =	vld.idx.msk [tilespmem:v6+s1+$0x0 ss:$0x1], $0xffff  }
0xc7: {  	_ =	sdelay $0x3  }
0xc8: {  	v3 =	vld.idx.msk [tilespmem:v7+s1+$0x0 ss:$0x1], $0xffff  }
0xc9: {  	v4 =	vld.idx.msk [tilespmem:v8+s1+$0x0 ss:$0x1], $0xffff  }
0xca: {  	v6 =	vld.idx.msk [tilespmem:v9+s1+$0x0 ss:$0x1], $0xffff;
	_ =	sdelay $0x1  }
0xcb: {  	v59 =	vld.idx.msk [tilespmem:v10+s1+$0x0 ss:$0x1], $0xffff;
	v60 =	vsub.f32 v12, v11  }
0xcc: {  	v3 =	vsub.f32 v3, v13  }
0xcd: {  	v5 =	vld.idx.msk [tilespmem:v5+s1+$0x0 ss:$0x1], $0xffff;
	v4 =	vmul.f32 v4, v60  }
0xce: {  	v6 =	vmul.f32 v6, v3;
	v61 =	vmul.f32 v3, v60  }
0xcf: {  	v2 =	vld.idx.msk [tilespmem:v2+s1+$0x0 ss:$0x1], $0xffff  }
0xd0: {  	v63 =	vmul.f32 v60, v60;
	v4 =	vadd.f32 v6, v4;
	v62 =	vmul.f32 v59, v61;
	_ =	sdelay $0x1  }
0xd1: {  	v5 =	vmul.f32 v5, v63;
	v3 =	vmul.f32 v3, v3;
	v4 =	vadd.f32 v62, v4  }
0xd2: {  	v1 =	vld.idx.msk [tilespmem:v1+s1+$0x0 ss:$0x1], $0xffff  }
0xd3: {  	v2 =	vmul.f32 v2, v3;
	v4 =	vadd.f32 v5, v4;
	_ =	sdelay $0x1  }
0xd4: {  	s24 =	sadd.s32 $0x1, s24;
	v2 =	vadd.f32 v2, v4  }
0xd5: {  	p0 =	sne.s32 s24, $0x8  }
.Ltmp2:
0xd6: {  	v1 =	vmul.f32 v2, v1;
	(pc) =	sbr.rel @p0 .LBB2_5-.Ltmp2, $4  }
0xd7: {  	s25 =	sadd.s32 $0x80, s25;
	s26 =	sadd.s32 $0x80, s26  }
0xd8: {  	s28 =	sadd.s32 $0x80, s28;
	s29 =	sadd.s32 $0x80, s29;
	s30 =	sadd.s32 $0x80, s30;
	v1 =	vmax.f32 v1, $-5.000000000e+03  }
0xd9: {  	s31 =	sadd.s32 $0x80, s31;
	s0 =	sadd.s32 $0x80, s0;
	s7 =	sadd.s32 $0x80, s7;
	v1 =	vmin.f32 v1, $5.000000000e+03  }
0xda: {  	s15 =	sadd.s32 $0x80, s15;
	s21 =	sadd.s32 $0x80, s21;
	s3 =	sadd.s32 $0x80, s3;
	[tilespmem:v0+s1+$0x0 ss:$0x1] =	vst.idx.msk $0xffff, v1  }
0xdb: {  	s22 =	sadd.s32 $0x1, s22  }
0xdc: {  	s0 =	rddreg [dreg:$0x0];
	p0 =	sne.s32 s22, $0x31  }
.Ltmp3:
0xdd: {  	s1 =	simm.s32 $0x0;
	s0 =	sadd.s32 s0, s23;
	(pc) =	sbr.rel @p0 .LBB2_2-.Ltmp3, $4  }
0xde: {  	[hbm4b:s0+s1] =	stream.linear.scatter [tilespmem:s20], [sflag:$0x2], $0x400, $0x38;
	[tilespmem:$0x3400] =	vst v63  }
0xdf: {  	_ =	swait.ge [sflag:s16], $0x400  }
0xe0: {  	[sflag:s16] =	ssyncset.done $0x0  }
0xe1: {  	[sflag:s16] =	ssyncadd.s32 $0xFFFFFC00  }
0xe2: {  	s1 =	rddreg [dreg:$0x4]  }
0xe3: {  	s0 =	rddreg [dreg:$0x3];
	s1 =	sadd.s32 $0x1, s1  }
0xe4: {  	p0 =	sne.s32 s1, s0  }
.Ltmp4:
0xe5: {  	_ = 	snop;
	(pc) =	sbr.rel @p0 .LBB2_1-.Ltmp4, $1  }
0xe6: {  	_ =	sdelay $0x3  }
0xe7: {  	_ =	sfence.sel $0x180000  }
0xe8: {  	[bflag:$0x0] =	sbarrier.arrive $0xFFFF  }
0xe9: {  	_ =	strace $0x90000050  }
0xea: {  	s0 =	stileid.u32;
	[bflag:$0x2] =	sbarrier.arrive $0xFFFF  }
0xeb: {  	p0 =	sne.s32 s0, $0x0;
	s0 =	rddreg [dreg:$0x2]  }
0xec: {  	s0 =	sadd.s32 @!p0 $0x100000, s0  }
0xed: {  	[sflag:s0] =	ssyncadd.tile.s32 @!p0 $0x1;
	_ =	shalt  }
.Lfunc_end2:
_tile_overlayer_lowered:
.L_overlay_start_2:
0xee: {  	(tag) =	ssettag $0x2  }
0xef: {  	s0 =	rddreg [dreg:$0x0];
	s2 =	stileid.u32  }
0xf0: {  	s1 =	rddreg [dreg:$0x1];
	p0 =	sne.s32 s2, $0x0  }
0xf1: {  	s3 =	rddreg [dreg:$0x2];
	[bflag:$0x3] =	sbarrier.arrive $0xFFFF;
	s2 =	simm.s32 @!p0 $0x1C02  }
0xf2: {  	[timem:s3], [sflag:s2] =	dma.local @!p0 [hbm:s0], s1  }
0xf3: {  	s0 =	simm.s32 @!p0 $0x2  }
0xf4: {  	_ =	swait.ge @!p0 [sflag:s0], s1  }
0xf5: {  	s1 =	ssub.s32 @!p0 $0x0, s1;
	[sflag:s0] =	ssyncset.done @!p0 $0x0  }
0xf6: {  	[sflag:s0] =	ssyncadd.s32 @!p0 s1  }
0xf7: {  	[bflag:$0x3] =	sbarrier.arrive $0xFFFF  }
0xf8: {  	_ =	shalt  }

// kernel: scatter_offload_async_start
scs
__scs_entry_jumppad:
0x0: {  	(pc) =	sbr.rel $0x88, $3  }
0x1: {  	(tag) =	ssettag $0x0;
	lr =	simm.s32 $0x1  }
0x2: {  	[smem:$0x3F9F] =	sst lr;
	_ =	strace $0xD0000000  }
0x3: {  	_ = 	snop  }
0x4: {  	_ = 	snop  }
0x5: {  	_ = 	snop  }
0x6: {  	_ = 	snop  }
0x7: {  	_ = 	snop  }
__scs_overlays_trampoline_lowered:
0x8: {  	[smem:$0x3FAE] =	sst s0  }
0x9: {  	[smem:$0x3FAF] =	sst s1  }
0xa: {  	[smem:$0x3FB0] =	sst s2  }
0xb: {  	[smem:$0x3FB1] =	sst s3  }
0xc: {  	[smem:$0x3FB2] =	sst s4  }
0xd: {  	[smem:$0x3FB3] =	sst s5  }
0xe: {  	[smem:$0x3FB4] =	sst s6  }
0xf: {  	[smem:$0x3FB5] =	sst s7  }
0x10: {  	[smem:$0x3FB6] =	sst s8  }
0x11: {  	[smem:$0x3FB7] =	sst s9;
	s0 =	simm.s32 @!p0 $0x0  }
0x12: {  	s1 =	sld [smem:$0x3F9D];
	s0 =	simm.s32 @p0 $0x1  }
0x13: {  	[smem:$0x3FB8] =	sst s0;
	s0 =	simm.s32 @!p1 $0x0  }
0x14: {  	s2 =	sld [smem:$0x3F9C];
	s0 =	simm.s32 @p1 $0x1  }
0x15: {  	[smem:$0x3FB9] =	sst s0;
	s0 =	simm.s32 @!p2 $0x0  }
0x16: {  	s3 =	sld [smem:$0x3FDB];
	s0 =	simm.s32 @p2 $0x1  }
0x17: {  	s4 =	simm.s32 $0x1BF5;
	[smem:$0x3FBB] =	sst s0  }
0x18: {  	s0 =	sld [smem:$0x3F9E];
	_ =	swait.ge [sflag:s4], $0x0  }
0x19: {  	s7 =	sld [smem:$0x3F9F]  }
0x1a: {  	s8 =	sadd.s32 $0xFFFFE003, lr  }
0x1b: {  	s9 =	sadd.s32 $0xFFFFFEF7, lr;
	s5 =	simm.s32 $0xFFFFFFFF;
	p2 =	slt.u32 s8, $0xFFFFF086  }
0x1c: {  	p1 =	slt.u32 s9, $0xF7A;
	s5 =	simm.s32 @!p2 $0x0  }
0x1d: {  	s5 =	simm.s32 @p1 $0x1;
	p0 =	seq.s32 s7, s2  }
0x1e: {  	s7 =	smul.u32 @!p0 $0xF7A, s2;
	p2 =	seq.s32 @!p0 s5, $0x0  }
0x1f: {  	s9 =	smul.u32 $0xF7A, s1;
	s8 =	simm.s32 @!p0 $0x1BF5;
	p2 =	por !p2, p0  }
0x20: {  	[sflag:s8] =	ssyncset.s32 @!p0 $0xFFFFF086;
	s6 =	sadd.s32 @!p0 s3, s7;
	s7 =	simm.s32 @!p0 $0x108  }
0x21: {  	s3 =	sadd.s32 s3, s9;
	s6 =	sadd.s32 @!p0 $0x88, s6;
	s7 =	simm.s32 @p2 $0x1082  }
0x22: {  	[simem:s7], [sflag:s8] =	dma.local @!p0 [hbm:s6], $0xF7A  }
0x23: {  	s9 =	sor.u32 $0xD0000000, s2;
	s6 =	simm.s32 $0x108;
	_ =	swait.ge @!p0 [sflag:s8], $0x0  }
0x24: {  	s3 =	sadd.s32 $0x88, s3;
	s6 =	simm.s32 @!p1 $0x1082;
	[sflag:s4] =	ssyncset.s32 $0xFFFFF086  }
0x25: {  	[simem:s6], [sflag:s4] =	dma.local [hbm:s3], $0xF7A  }
0x26: {  	[smem:$0x3F9F] =	sst s1;
	(tag) =	ssettag s2;
	_ =	strace s9  }
0x27: {  	s1 =	sld [smem:$0x3FAF]  }
0x28: {  	s2 =	sld [smem:$0x3FB0]  }
0x29: {  	s4 =	sld [smem:$0x3FB2]  }
0x2a: {  	p0 =	seq.s32 s5, $0x0;
	s5 =	sld [smem:$0x3FB3]  }
0x2b: {  	s6 =	sld [smem:$0x3FB4]  }
0x2c: {  	s7 =	sld [smem:$0x3FB5]  }
0x2d: {  	s3 =	simm.s32 $0x108;
	s8 =	sld [smem:$0x3FB6]  }
0x2e: {  	s3 =	simm.s32 @!p0 $0x1082;
	s9 =	sld [smem:$0x3FB7]  }
0x2f: {  	lr =	sadd.s32 s0, s3;
	s0 =	sld [smem:$0x3FAE]  }
0x30: {  	s3 =	sld [smem:$0x3FB1]  }
0x31: {  	[smem:$0x3FBA] =	sst s10  }
0x32: {  	s10 =	sld [smem:$0x3FB8];
	_ =	sdelay $0x3  }
0x33: {  	p0 =	seq.s32 s10, $0x1;
	s10 =	sld [smem:$0x3FBA];
	_ =	sdelay $0x3  }
0x34: {  	[smem:$0x3FBA] =	sst s10  }
0x35: {  	s10 =	sld [smem:$0x3FB9];
	_ =	sdelay $0x3  }
0x36: {  	p1 =	seq.s32 s10, $0x1;
	s10 =	sld [smem:$0x3FBA];
	_ =	sdelay $0x3  }
0x37: {  	[smem:$0x3FBA] =	sst s10  }
0x38: {  	s10 =	sld [smem:$0x3FBB]  }
0x39: {  	_ = 	snop;
	(pc) =	sbr.ind lr, $3  }
0x3a: {  	_ = 	snop  }
0x3b: {  	_ = 	snop  }
0x3c: {  	p2 =	seq.s32 s10, $0x1;
	s10 =	sld [smem:$0x3FBA]  }
0x3d: {  	_ =	shalt  }
0x3e: {  	_ =	shalt  }
0x3f: {  	_ =	shalt  }
0x40: {  	_ =	shalt  }
0x41: {  	_ =	shalt  }
0x42: {  	_ =	shalt  }
0x43: {  	_ =	shalt  }
0x44: {  	_ =	shalt  }
0x45: {  	_ =	shalt  }
0x46: {  	_ =	shalt  }
0x47: {  	_ =	shalt  }
0x48: {  	_ =	shalt  }
0x49: {  	_ =	shalt  }
0x4a: {  	_ =	shalt  }
0x4b: {  	_ =	shalt  }
0x4c: {  	_ =	shalt  }
0x4d: {  	_ =	shalt  }
0x4e: {  	_ =	shalt  }
0x4f: {  	_ =	shalt  }
0x50: {  	_ =	shalt  }
0x51: {  	_ =	shalt  }
0x52: {  	_ =	shalt  }
0x53: {  	_ =	shalt  }
0x54: {  	_ =	shalt  }
0x55: {  	_ =	shalt  }
0x56: {  	_ =	shalt  }
0x57: {  	_ =	shalt  }
0x58: {  	_ =	shalt  }
0x59: {  	_ =	shalt  }
0x5a: {  	_ =	shalt  }
0x5b: {  	_ =	shalt  }
0x5c: {  	_ =	shalt  }
0x5d: {  	_ =	shalt  }
0x5e: {  	_ =	shalt  }
0x5f: {  	_ =	shalt  }
0x60: {  	_ =	shalt  }
0x61: {  	_ =	shalt  }
0x62: {  	_ =	shalt  }
0x63: {  	_ =	shalt  }
0x64: {  	_ =	shalt  }
0x65: {  	_ =	shalt  }
0x66: {  	_ =	shalt  }
0x67: {  	_ =	shalt  }
0x68: {  	_ =	shalt  }
0x69: {  	_ =	shalt  }
0x6a: {  	_ =	shalt  }
0x6b: {  	_ =	shalt  }
0x6c: {  	_ =	shalt  }
0x6d: {  	_ =	shalt  }
0x6e: {  	_ =	shalt  }
0x6f: {  	_ =	shalt  }
0x70: {  	_ =	shalt  }
0x71: {  	_ =	shalt  }
0x72: {  	_ =	shalt  }
0x73: {  	_ =	shalt  }
0x74: {  	_ =	shalt  }
0x75: {  	_ =	shalt  }
0x76: {  	_ =	shalt  }
0x77: {  	_ =	shalt  }
0x78: {  	_ =	shalt  }
0x79: {  	_ =	shalt  }
0x7a: {  	_ =	shalt  }
0x7b: {  	_ =	shalt  }
0x7c: {  	_ =	shalt  }
0x7d: {  	_ =	shalt  }
0x7e: {  	_ =	shalt  }
0x7f: {  	_ =	shalt  }
0x80: {  	_ =	shalt  }
0x81: {  	_ =	shalt  }
0x82: {  	_ =	shalt  }
0x83: {  	_ =	shalt  }
0x84: {  	_ =	shalt  }
0x85: {  	_ =	shalt  }
0x86: {  	_ =	shalt  }
0x87: {  	_ =	shalt  }
.Lfunc_end0:
.L_simem_size_0:
called_computation_lowered:
.L_overlay_start_0:
0x88: {  	s0 =	sld [smem:$0x3FD9]  }
0x89: {  	s1 =	sld [smem:$0x3FFE];
	_ =	sdelay $0x3  }
0x8a: {  	s0 =	sadd.s32 s1, s0  }
0x8b: {  	[smem:$0x3FC6] =	sst s0  }
0x8c: {  	_ = 	snop  }
0x8d: {  	(tm) =	ssettm $0x1  }
0x8e: {  	s15 =	sld [smem:$0x3FFB];
	_ =	sdelay $0x3  }
0x8f: {  	_ =	strace s15  }
0x90: {  	s0 =	sld [smem:$0x3FFC];
	_ =	sdelay $0x3  }
0x91: {  	_ =	strace s0  }
0x92: {  	s0 =	sld [smem:$0x3FFD];
	_ =	sdelay $0x3  }
0x93: {  	_ =	strace s0  }
0x94: {  	_ =	strace $0x8FFFFFFF  }
0x95: {  	s16 =	sld [smem:$0x3FDB];
	_ =	sdelay $0x1  }
0x96: {  	s17 =	simm.s32 $_scs_section_size  }
0x97: {  	s2 =	simm.s32 $_size__tile_overlayer_lowered;
	s3 =	simm.s32 $_tile_overlayer_lowered  }
0x98: {  	s20 =	simm.s32 $0x1BFF;
	s19 =	sshll.u32 s3, $0x1;
	s0 =	sadd.s32 s17, s16  }
0x99: {  	s4 =	simm.s32 $0x0;
	s18 =	sshll.u32 s2, $0x1;
	s2 =	sadd.s32 s19, s0  }
0x9a: {  	[timem:s4], [sflag:s20] =	dma.local [hbm:s2], s18  }
0x9b: {  	_ =	swait.ge [sflag:s20], s18  }
0x9c: {  	s1 =	ssub.s32 $0x0, s18;
	[sflag:s20] =	ssyncset.done $0x0  }
0x9d: {  	[sflag:s20] =	ssyncadd.s32 s1;
	_ =	sdelay $0x1  }
0x9e: {  	s21 =	simm.s32 $0x1B8B  }
0x9f: {  	_ =	swait.ge [sflag:s21], $0x1  }
0xa0: {  	[sflag:s21] =	ssyncset.done $0x0  }
0xa1: {  	s23 =	simm.s32 $0x1B8E;
	s22 =	sld [smem:$0x3FFE];
	[sflag:s21] =	ssyncadd.s32 $0xFFFFFFFF  }
0xa2: {  	s24 =	simm.s32 $execute0_lowered;
	[smem:$0x3FD2] =	sst s23  }
0xa3: {  	s2 =	sshll.u32 s24, $0x1;
	_ =	strace $0x80000049;
	[dreg:$0x1] =	wrdreg $0xFFFFFFFF  }
0xa4: {  	s25 =	simm.s32 $_size_execute0_lowered;
	s0 =	sadd.s32 s0, s2;
	[dreg:$0x0] =	wrdreg $0x0  }
0xa5: {  	s2 =	sshll.u32 s25, $0x1;
	[dreg:$0x2] =	wrdreg s0  }
0xa6: {  	[dreg:$0x3] =	wrdreg s2  }
0xa7: {  	[dreg:$0x4] =	wrdreg $0xC0  }
0xa8: {  	_ =	task [dreg:s4], $0x5FFFF  }
0xa9: {  	[dreg:$0x1] =	wrdreg $0xFFFFFFFF  }
0xaa: {  	[dreg:$0x0] =	wrdreg $0x60  }
0xab: {  	[dreg:$0x2] =	wrdreg s22  }
0xac: {  	[dreg:$0x3] =	wrdreg $0x9  }
0xad: {  	_ =	task.clear_ibuf [dreg:s4], $0x4FFFF;
	_ =	strace $0x90000049  }
0xae: {  	s26 =	simm.s32 $0x9;
	_ =	strace $0x8000004B  }
0xaf: {  	_ =	swait.ge [sflag:s26], $0x1  }
0xb0: {  	[sflag:s26] =	ssyncadd.s32 $0xFFFFFFFF  }
0xb1: {  	_ =	strace $0x9000004B  }
0xb2: {  	_ =	sfence  }
0xb3: {  	s28 =	sld [smem:$0x0];
	_ =	sdelay $0x1  }
0xb4: {  	s29 =	srdreg.scid  }
0xb5: {  	s30 =	sshll.u32 s29, $0xD;
	s31 =	sshrl.u32 s29, $0x2  }
0xb6: {  	s1 =	sand.u32 $0x1, s29;
	s2 =	sand.u32 $0x4000, s30;
	s0 =	sadd.s32 s31, s28  }
0xb7: {  	s1 =	sor.u32 s2, s1;
	s0 =	sshll.u32 s0, $0x11  }
0xb8: {  	s0 =	sor.u32 s0, s1  }
0xb9: {  	s0 =	sadd.s32 $0x8F2B, s0  }
0xba: {  	[sflag:s0] =	ssyncadd.remote.s32 $0x1  }
0xbb: {  	_ =	sfence.sel $0xFFFF  }
0xbc: {  	[dreg:$0x0] =	wrdreg $0xFFFFFFFF;
	(pc) =	sbr.abs _section_cstart, $3  }
0xbd: {  	[dreg:$0x1] =	wrdreg $0xFFFFFFFF  }
0xbe: {  	_ =	task.clear_ibuf [dreg:s4], $0x2FFFF;
	_ =	strace $0x9FFFFFFF  }
0xbf: {  	(tm) =	ssettm $0x7FFFFFFF  }
tec
execute0_lowered:
.L_overlay_start_1:
0x0: {  	(tag) =	ssettag $0x1  }
0x1: {  	s0 =	rddreg [dreg:$0x0];
	s14 =	stileid.u32  }
0x2: {  	_ =	strace $0x8000004A;
	s2 =	simm.s32 $0x1;
	s1 =	smul.u32 $0xC, s14  }
0x3: {  	v1 =	vimm.s32 $0xFFFFFFFF;
	s3 =	smin.u32 s14, $0x8;
	[sflag:s2] =	ssyncpa.u1 $0x0  }
0x4: {  	[tilespmem:$0x10] =	vst v1;
	s1 =	sadd.s32 s3, s1  }
0x5: {  	v0 =	vimm.f32 $0.0e+00;
	p0 =	slt.u32 s14, $0x8;
	[tilespmem:$0x20] =	vst v1;
	s3 =	smul.u32 $0x1F40, s1;
	s1 =	simm.s32 $0x19640  }
0x6: {  	[tilespmem:$0x30] =	vst v0;
	s1 =	simm.s32 @!p0 $0x17700  }
0x7: {  	[tilespmem:$0x40] =	vst v0;
	s1 =	sadd.s32 s1, s3  }
0x8: {  	[tilespmem:$0x50] =	vst v0;
	s4 =	smin.u32 s1, $0x186A00  }
0x9: {  	[tilespmem:$0x60] =	vst v1;
	s9 =	ssub.s32 s4, s3  }
0xa: {  	s7 =	simm.s32 $0x2;
	s8 =	simm.s32 $0x8;
	[tilespmem:$0x70] =	vst v1;
	p0 =	sgt.s32 s9, $0x0  }
0xb: {  	s31 =	simm.s32 $0x9;
	s16 =	simm.s32 $0x0;
	[tilespmem:$0x80] =	vst v1;
	s9 =	simm.s32 @!p0 $0x0  }
0xc: {  	s17 =	simm.s32 $0xF0;
	s18 =	simm.s32 $0xFFFFFFFF;
	v1 =	vimm.s32 $0x0;
	[tilespmem:$0xB0] =	vst v0;
	s5 =	smulhi.u32 $0x10624DD3, s9  }
0xd: {  	s19 =	simm.s32 $0xFFFFC280;
	s20 =	simm.s32 $0xFFFFFFFE;
	s21 =	simm.s32 $0xF;
	[tilespmem:$0x90] =	vst v1  }
0xe: {  	[tilespmem:$0xA0] =	vst v1;
	[sflag:s7] =	ssyncpa.u1 $0x0;
	s7 =	simm.s32 $0x7;
	s10 =	sshrl.u32 s5, $0x9  }
0xf: {  	s25 =	simm.s32 $0x0;
	[sflag:s7] =	ssyncpa.u1 $0x0;
	s11 =	smul.u32 $0x1F40, s10  }
0x10: {  	s24 =	simm.s32 $0x0;
	s6 =	sadd.s32 $0x71200, s0;
	[sflag:s8] =	ssyncpa.u1 $0x0  }
.Ltmp0:
0x11: {  	[sflag:s31] =	ssyncpa.u1 $0x0;
	p0 =	sne.s32 s9, s11;
	(pc) =	sbr.rel .LBB2_1-.Ltmp0, $4  }
0x12: {  	s23 =	smov.u32 s3;
	s1 =	sadd.s32 $0x30E00, s0;
	s2 =	simm.s32 @!p0 $0x0  }
0x13: {  	s5 =	sadd.s32 $0x40400, s0;
	p0 =	por $0x0, $0x0;
	s9 =	sadd.s32 s2, s10  }
0x14: {  	vm0 =	vmmov $0xffff;
	v2 =	vlaneseq.u32;
	s10 =	sshll.u32 s14, $0x1;
	s14 =	sshllo.u32 s14, $0x1;
	s11 =	sadd.s32 $0x1, s9  }
0x15: {  	vm1 =	vmxor vm1, vm1;
	vm2 =	vmmov $0x1;
	vm3 =	vcmask $0x3F3C;
	s12 =	sadd.s32 $0x2, s9;
	s13 =	sor.u32 $0x81, s10;
	s15 =	sor.u32 $0x80, s10  }
.LBB2_9:
0x16: {  	p1 =	slt.u32 s24, $0x3  }
0x17: {  	s0 =	simm.s32 @!p1 $0x2  }
0x18: {  	_ =	swait.ge @!p1 [sflag:s0], $0x1F40  }
0x19: {  	[sflag:s0] =	ssyncset.done @!p1 $0x0  }
0x1a: {  	[sflag:s0] =	ssyncadd.s32 @!p1 $0xFFFFE0C0;
	s0 =	simm.s32 @!p1 $0x9  }
0x1b: {  	_ =	swait.ge @!p1 [sflag:s0], $0x10  }
0x1c: {  	[sflag:s0] =	ssyncset.done @!p1 $0x0  }
0x1d: {  	[sflag:s0] =	ssyncadd.s32 @!p1 $0xFFFFFFF0;
	p1 =	sne.s32 s24, s12  }
.Ltmp1:
0x1e: {  	s2 =	sadd.s32 $0x1F40, s23;
	(pc) =	sbr.rel @!p1 .LBB2_10-.Ltmp1, $4  }
0x1f: {  	s22 =	smov.u32 s3;
	s31 =	sadd.s32 $0x1, s24;
	s17 =	sadd.s32 $0x1F40, s17  }
0x20: {  	s18 =	sadd.s32 $0x1, s18;
	s25 =	smov.u32 s23;
	p2 =	slt.s32 s2, s4  }
0x21: {  	p0 =	por !p0, !p0;
	s19 =	sadd.s32 $0x1F40, s19;
	s22 =	smov.u32 @p2 s2  }
0x22: {  	s20 =	sadd.s32 $0x1, s20;
	s23 =	smov.u32 s22;
	s24 =	smov.u32 s31  }
.LBB2_1:
0x23: {  	p1 =	sge.u32 s24, s9  }
0x24: {  	s0 =	smulhi.u32 @!p1 $0xAAAAAAAB, s24;
	_ =	sdelay $0x1  }
0x25: {  	s0 =	sshrl.u32 @!p1 s0, $0x1  }
0x26: {  	s0 =	smul.u32 @!p1 $0x3, s0;
	_ =	sdelay $0x1  }
0x27: {  	s0 =	ssub.s32 @!p1 s24, s0  }
0x28: {  	s0 =	smul.u32 @!p1 $0x7D00, s0;
	_ =	sdelay $0x1  }
0x29: {  	s2 =	sshrl.u32 @!p1 s23, $0x3;
	s0 =	sshrl.u32 @!p1 s0, $0x2  }
0x2a: {  	s22 =	sand.u32 @!p1 $0x7, s23;
	s2 =	sadd.s32 @!p1 s5, s2;
	s0 =	sadd.s32 @!p1 $0x100, s0  }
0x2b: {  	[tilespmem:s0], [sflag:$0x7] =	stream.linear.gather @!p1 [hbm4b:s2+s22], $0x1F40, $0x38;
	[tilespmem:$0x11A60] =	vst v63  }
0x2c: {  	s0 =	sadd.s32 $0xFFFFFFFF, s24  }
0x2d: {  	p1 =	sge.u32 s0, s9  }
.Ltmp2:
0x2e: {  	_ = 	snop;
	(pc) =	sbr.rel @p1 .LBB2_5-.Ltmp2, $1  }
0x2f: {  	_ =	sdelay $0x3  }
0x30: {  	s2 =	smulhi.u32 $0xAAAAAAAB, s0;
	_ =	sdelay $0x1  }
0x31: {  	s2 =	sshrl.u32 s2, $0x1  }
0x32: {  	s2 =	smul.u32 $0x3, s2;
	_ =	sdelay $0x1  }
0x33: {  	s2 =	ssub.s32 s0, s2  }
0x34: {  	s2 =	smul.u32 $0x7D00, s2  }
0x35: {  	_ =	swait.ge [sflag:s7], $0x1F40  }
0x36: {  	[sflag:s7] =	ssyncset.done $0x0;
	s2 =	sshrl.u32 s2, $0x2  }
0x37: {  	[sflag:s7] =	ssyncadd.s32 $0xFFFFE0C0;
	(ifvalue) =	ssetifvalue $0xFFFFFFFF;
	v3 =	vld.msk [tilespmem:s2+$0x100 ss:$0x1], $0xffff;
	_ =	sdelay $0x2  }
0x38: {  	s30 =	smulhi.u32 $0xAAAAAAAB, s18;
	p1 =	sne.s32 s24, $0x1  }
0x39: {  	v4 =	vimm.s32 @!p1 $0x0  }
0x3a: {  	s2 =	sshrl.u32 s30, $0x1;
	v4 =	vperm.xlane @!p1 v3, v4  }
0x3b: {  	s22 =	sshll.u32 s24, $0x4;
	s2 =	smul.u32 $0xFFFE8900, s2;
	vm4 =	vlt.u32 v3, $0x18800  }
0x3c: {  	s22 =	sand.u32 $0x10, s22;
	v3 =	vnsel vm4, $0xFFFFFFFE, v3;
	vm4 =	vlt.u32 @!p1 v4, $0x18800  }
0x3d: {  	s2 =	sshra.s32 s2, $0x2;
	[tilespmem:s22+$0x60] =	vst v3;
	v3 =	vnsel @!p1 vm4, $0xFFFFFFFE, v4  }
0x3e: {  	s28 =	sadd.s32 s2, s17;
	[tilespmem:$0x80] =	vst @!p1 v3  }
0x3f: {  	v3 =	vld.msk [tilespmem:s28+$0x0 ss:$0x1], $0xffff;
	_ =	sdelay $0x4  }
0x40: {  	(xrf1) =	vunique.msk.u32 $0xffff, v3;
	_ =	sdelay $0xd  }
0x41: {  	v4 =	vimm.s32 $0xFFFFFFFF;
	v5, _, _ =	vpop (xrf1)  }
0x42: {  	vm5 =	vne.s32 v3, v4;
	vm4 =	veq.s32 v5, v2  }
0x43: {  	vm6 =	vlt.u32 v3, $0x18800;
	vm4 =	vmand vm5, vm4  }
0x44: {  	vm4 =	vmand vm6, vm4  }
0x45: {  	v4 =	vnsel vm4, $0xFFFFFFFF, v3  }
0x46: {  	s31 =	sand.u32 $0x1, s0  }
0x47: {  	s0 =	simm.s32 $0x1F40;
	p1 =	seq.s32 s31, $0x1  }
0x48: {  	s0 =	simm.s32 @!p1 $0x0  }
0x49: {  	s26 =	sadd.s32 $0x7DF0, s0;
	(ifvalue) =	ssetifvalue $0xFFFFFFFF  }
0x4a: {  	v3 =	vperm.xlane v3, v1;
	[tilespmem:s26], [sflag:$0x8] =	stream.indirect_vreg.gather [hbm4b:s1+s16], $0x1, v4, vm0, $0x4038;
	v4 =	vnsel vm6, $0xFFFFFFFE, v4;
	[tilespmem:$0x11A60] =	vst v63  }
0x4b: {  	s2 =	simm.s32 $0x0;
	s22 =	sadd.s32 $0xFFFFFFF0, s28;
	[tilespmem:s28+$0x0] =	vst v4  }
.LBB2_3:
0x4c: {  	v4 =	vld.msk [tilespmem:s22+$0x0 ss:$0x1], $0xffff;
	s2 =	sadd.s32 $0x10, s2;
	v5 =	vmov v3;
	s28 =	smov.u32 s22  }
0x4d: {  	p1 =	slt.u32 s2, $0x1F30;
	_ =	sdelay $0x4  }
0x4e: {  	v3 =	vperm.xlane v4, v1;
	(xrf1) =	vunique.msk.u32 $0xffff, v4;
	_ =	sdelay $0xd  }
0x4f: {  	v6, _, _ =	vpop (xrf1)  }
0x50: {  	vm5 =	vne.s32 v4, v5;
	vm4 =	veq.s32 v6, v2  }
0x51: {  	vm6 =	vlt.u32 v4, $0x18800;
	vm4 =	vmand vm5, vm4  }
0x52: {  	vm4 =	vmand vm6, vm4  }
0x53: {  	v4 =	vnsel vm4, $0xFFFFFFFF, v4  }
.Ltmp3:
0x54: {  	v5 =	vnsel vm6, $0xFFFFFFFE, v4;
	(pc) =	sbr.rel @p1 .LBB2_3-.Ltmp3, $3  }
0x55: {  	_ =	sdelay $0x1  }
0x56: {  	s22 =	sadd.s32 $0xFFFFFFF0, s22;
	s26 =	sadd.s32 $0xFFFFFFF0, s26;
	(ifvalue) =	ssetifvalue $0xFFFFFFFF  }
0x57: {  	[tilespmem:s26], [sflag:$0x8] =	stream.indirect_vreg.gather [hbm4b:s1+s16], $0x1, v4, vm0, $0x4038;
	[tilespmem:s28+$0x0] =	vst v5  }
0x58: {  	s2 =	sshrl.u32 s25, $0x3  }
0x59: {  	s0 =	sadd.s32 $0x9D40, s0;
	s2 =	sadd.s32 s6, s2  }
0x5a: {  	[tilespmem:s0], [sflag:$0x8] =	stream.linear.gather [hbm:s2], $0x1F40, $0x38;
	[tilespmem:$0x11A60] =	vst v63  }
.LBB2_5:
0x5b: {  	p1 =	slt.u32 s24, $0x2  }
0x5c: {  	p2 =	sge.u32 @!p1 s24, s12  }
0x5d: {  	p1 =	por p1, p2  }
.Ltmp4:
0x5e: {  	_ = 	snop;
	(pc) =	sbr.rel @p1 .LBB2_9-.Ltmp4, $1  }
0x5f: {  	_ =	sdelay $0x3  }
0x60: {  	s0 =	sadd.s32 $0xFFFFFFFE, s24  }
0x61: {  	s2 =	smulhi.u32 $0xAAAAAAAB, s0;
	_ =	sdelay $0x1  }
0x62: {  	s2 =	sshrl.u32 s2, $0x1  }
0x63: {  	s2 =	smul.u32 $0x3, s2;
	_ =	sdelay $0x1  }
0x64: {  	s0 =	ssub.s32 s0, s2  }
0x65: {  	_ =	swait.ge [sflag:s8], $0x3E80;
	s0 =	smul.u32 $0x1F40, s0  }
0x66: {  	p1 =	sne.s32 s24, s11;
	[sflag:s8] =	ssyncset.done $0x0  }
0x67: {  	[sflag:s8] =	ssyncadd.s32 $0xFFFFC180;
	s2 =	sadd.s32 @!p1 $0x203F, s0  }
0x68: {  	[spmem:s13] =	stream.linear.scatter @!p1 [tilespmem:s2], [sflag:$0x1], $0x1, $0x38;
	[tilespmem:$0x11A60] =	vst v63  }
0x69: {  	s2 =	simm.s32 @!p1 $0x1  }
0x6a: {  	_ =	swait.ge @!p1 [sflag:s2], $0x1  }
0x6b: {  	s22 =	sshll.u32 s24, $0x4;
	[sflag:s2] =	ssyncset.done @!p1 $0x0  }
0x6c: {  	s25 =	sand.u32 $0x10, s22;
	[sflag:s2] =	ssyncadd.s32 @!p1 $0xFFFFFFFF  }
0x6d: {  	s2 =	sxor.u32 $0x10, s25;
	v4 =	vld [tilespmem:s25+$0x10]  }
0x6e: {  	v5 =	vld [tilespmem:s2+$0x60]  }
0x6f: {  	v3 =	vld [tilespmem:$0x80];
	_ =	sdelay $0x2  }
0x70: {  	(v2sf) =	vpush v4, $0x0  }
0x71: {  	(v2sf) =	vpush v5, $0x0  }
0x72: {  	(v2sf) =	vpush v3, $0x0;
	_ =	sdelay $0xc  }
0x73: {  	s22 =	spop (v2sf)  }
0x74: {  	s26 =	spop (v2sf)  }
0x75: {  	s28 =	spop (v2sf)  }
0x76: {  	p2 =	seq.s32 s22, s26;
	p3 =	seq.s32 s28, s22  }
0x77: {  	p3 =	por p2, p3  }
0x78: {  	s26 =	sand.u32 $0x1, s24;
	v4 =	vpsel p3, $0xFFFFFFFF, v4  }
0x79: {  	s29 =	smul.u32 $0x1F40, s26;
	[tilespmem:s25+$0x10] =	vst.msk $0x1, v4  }
0x7a: {  	v4 =	vld [tilespmem:$0x30]  }
0x7b: {  	v5 =	vld [tilespmem:s29+$0x9D40]  }
0x7c: {  	v6 =	vld [tilespmem:s25+$0x40];
	_ =	sdelay $0x3  }
0x7d: {  	vm4 =	vmmov vm1;
	v5 =	vadd.f32 v5, v4  }
0x7e: {  	vm5 =	vmmov vm2;
	vm4 =	vmmov @p2 vm2;
	s22 =	sshll.u32 s26, $0x4;
	v4 =	vadd.f32 v6, v4  }
0x7f: {  	s26 =	sor.u32 $0x11A40, s22;
	vm5 =	vmmov @p3 vm1;
	[tilespmem:s29+$0x9D40] =	vst.msk vm4, v5  }
0x80: {  	[tilespmem:s26+$0x0] =	vst.msk vm5, v4  }
0x81: {  	v4 =	vld [tilespmem:s29+$0x7DF0];
	_ =	sdelay $0x3  }
0x82: {  	v5 =	vimm.f32 $0.0e+00  }
0x83: {  	v4 =	vshift.insert v4, v5, s21  }
0x84: {  	s22 =	sor.u32 $0x40, s2  }
0x85: {  	[tilespmem:s22+$0x0] =	vst.msk $0x1, v4  }
0x86: {  	[tilespmem:s29+$0x7DFF] =	vst.msk $0x1, v5  }
0x87: {  	v4 =	vld [tilespmem:s0+$0x2030];
	_ =	sdelay $0x1  }
0x88: {  	s22 =	smulhi.u32 $0xAAAAAAAB, s20;
	s0 =	simm.s32 $0x1  }
0x89: {  	s0 =	simm.s32 @!p0 $0x0  }
0x8a: {  	s22 =	sshrl.u32 s22, $0x1;
	s0 =	smul.u32 $0x7D00, s0  }
0x8b: {  	s22 =	smul.u32 $0xFFFE8900, s22;
	v4 =	vshift.insert v4, v1, s21  }
0x8c: {  	s0 =	sshrl.u32 s0, $0x2  }
0x8d: {  	s22 =	sshra.s32 s22, $0x2;
	s30 =	sadd.s32 $0x9D40, s0;
	[tilespmem:s2+$0x10] =	vst.msk $0x1, v4  }
0x8e: {  	s22 =	sadd.s32 s22, s19;
	v6 =	vld [tilespmem:s30+$0x0]  }
0x8f: {  	v7 =	vld [tilespmem:s22+$0x0];
	_ =	sdelay $0x3  }
0x90: {  	v5 =	vadd.f32 v6, v5  }
0x91: {  	vm4 =	vne.s32 v7, $0xFFFFFFFF  }
0x92: {  	(xrf2) =	vadd.seg.scan.f32 vm4, v5;
	_ =	sdelay $0x3  }
0x93: {  	s31 =	sadd.s32 $0x5EC0, s0;
	v5 =	vperm.xlane v4, v1  }
0x94: {  	v6 =	vld [tilespmem:s31+$0x0]  }
0x95: {  	vm5 =	veq.s32 v7, v3;
	vm6 =	veq.s32 v7, v5  }
0x96: {  	vm7 =	vgt.u32 v7, $0xFFFFFFFD;
	vm6 =	vmor vm6, vm5  }
0x97: {  	vm6 =	vmor vm6, vm7  }
0x98: {  	v9 =	vld [tilespmem:$0xA0];
	v7 =	vsel vm6, $0xFFFFFFFF, v7  }
0x99: {  	v10 =	vld [tilespmem:$0x90];
	v6 =	vsel vm5, $0x0, v6;
	v8, _, _ =	vpop (xrf2)  }
0x9a: {  	v6 =	vadd.f32 v8, v6  }
0x9b: {  	s0 =	sadd.s32 $0xDBC0, s0  }
0x9c: {  	vm4 =	vmand vm4, vm3;
	[tilespmem:s0+$0x0] =	vst v6;
	(ifvalue) =	ssetifvalue $0xFFFFFFFF  }
0x9d: {  	vm6 =	veq.s32 v9, $0x1;
	[hbm4b:s1+s16] =	stream.indirect_vreg.scatter [tilespmem:s0], [sflag:$0x2], $0x1, v7, vm0, $0x4038;
	v7 =	vsel vm4, $0x0, v8;
	[tilespmem:$0x11A60] =	vst v63  }
0x9e: {  	s2 =	simm.s32 $0x0;
	s22 =	sadd.s32 $0x10, s22;
	vm4 =	vmor vm6, vm5;
	v6 =	vsel vm5, v8, v10;
	v7 =	vshift.insert v7, v0, s21  }
.LBB2_7:
0x9f: {  	v8 =	vld [tilespmem:s22+$0x0];
	s30 =	sadd.s32 $0x10, s30  }
0xa0: {  	s31 =	sadd.s32 $0x10, s31;
	v9 =	vld [tilespmem:s30+$0x0]  }
0xa1: {  	s2 =	sadd.s32 $0x10, s2;
	v10 =	vld [tilespmem:s31+$0x0]  }
0xa2: {  	p2 =	slt.u32 s2, $0x1F30;
	_ =	sdelay $0x2  }
0xa3: {  	v7 =	vadd.f32 v9, v7  }
0xa4: {  	vm5 =	vne.s32 v8, $0xFFFFFFFF  }
0xa5: {  	vm6 =	vmand vm5, vm3;
	(xrf2) =	vadd.seg.scan.f32 vm5, v7;
	_ =	sdelay $0x5  }
0xa6: {  	vm7 =	veq.s32 v8, v5;
	vm5 =	veq.s32 v8, v3  }
0xa7: {  	vm8 =	vgt.u32 v8, $0xFFFFFFFD;
	vm4 =	vmor vm4, vm5;
	vm7 =	vmor vm7, vm5  }
0xa8: {  	vm7 =	vmor vm7, vm8  }
0xa9: {  	v8 =	vsel vm7, $0xFFFFFFFF, v8  }
.Ltmp5:
0xaa: {  	v7 =	vsel vm5, $0x0, v10;
	v9, _, _ =	vpop (xrf2);
	(pc) =	sbr.rel @p2 .LBB2_7-.Ltmp5, $4  }
0xab: {  	v6 =	vsel vm5, v9, v6;
	v10 =	vadd.f32 v9, v7;
	v7 =	vsel vm6, $0x0, v9  }
0xac: {  	s0 =	sadd.s32 $0x10, s0;
	v7 =	vshift.insert v7, v0, s21  }
0xad: {  	s22 =	sadd.s32 $0x10, s22;
	[tilespmem:s0+$0x0] =	vst v10;
	(ifvalue) =	ssetifvalue $0xFFFFFFFF  }
0xae: {  	[hbm4b:s1+s16] =	stream.indirect_vreg.scatter [tilespmem:s0], [sflag:$0x2], $0x1, v8, vm0, $0x4038;
	[tilespmem:$0x11A60] =	vst v63  }
0xaf: {  	v3 =	vld [tilespmem:s29+$0xFAF0];
	_ =	sdelay $0x4  }
0xb0: {  	v3 =	vshift.insert v3, v0, s21  }
0xb1: {  	s0 =	simm.s32 $0x30  }
0xb2: {  	[tilespmem:s0+$0x0] =	vst.msk $0x1, v3  }
0xb3: {  	v3 =	vsel vm4, $0x1, v1;
	[tilespmem:$0x90] =	vst v6  }
0xb4: {  	s0 =	sadd.s32 @!p1 $0xFAFF, s29;
	[tilespmem:$0xA0] =	vst v3  }
0xb5: {  	[spmem:s14] =	stream.linear.scatter @!p1 [tilespmem:s0], [sflag:$0x1], $0x1, $0x38;
	[tilespmem:$0x11A60] =	vst v63  }
0xb6: {  	s0 =	simm.s32 @!p1 $0x1  }
0xb7: {  	v3 =	vmctz.xlane @!p1 vm4;
	_ =	swait.ge @!p1 [sflag:s0], $0x1  }
0xb8: {  	(v2sf) =	vpush @!p1 v4, $0x0  }
0xb9: {  	(v2sf) =	vpush @!p1 v3, $0x0;
	_ =	sdelay $0xd  }
0xba: {  	s2 =	spop @!p1 (v2sf)  }
0xbb: {  	s22 =	spop @!p1 (v2sf)  }
0xbc: {  	p2 =	sne.s32 @!p1 s28, s2;
	p3 =	slt.s32 @!p1 s22, $0xF  }
0xbd: {  	[sflag:s0] =	ssyncset.done @!p1 $0x0;
	p2 =	por p2, p1;
	p3 =	por !p3, p1  }
0xbe: {  	[sflag:s0] =	ssyncadd.s32 @!p1 $0xFFFFFFFF;
	v3 =	vimm.s32 @!p2 $0xFFFFFFFF;
	s22 =	simm.s32 @p3 $0xF  }
0xbf: {  	[tilespmem:$0x80] =	vst @!p2 v3;
	s2 =	sadd.s32 @!p1 $0x90, s22  }
0xc0: {  	[spmem:s10] =	stream.linear.scatter @!p1 [tilespmem:s2], [sflag:$0x1], $0x1, $0x38;
	[tilespmem:$0x11A60] =	vst v63  }
0xc1: {  	_ =	swait.ge @!p1 [sflag:s0], $0x1  }
0xc2: {  	[sflag:s0] =	ssyncset.done @!p1 $0x0  }
0xc3: {  	s2 =	simm.s32 @!p1 $0x80;
	[sflag:s0] =	ssyncadd.s32 @!p1 $0xFFFFFFFF  }
0xc4: {  	[spmem:s15] =	stream.linear.scatter @!p1 [tilespmem:s2], [sflag:$0x1], $0x1, $0x38;
	[tilespmem:$0x11A60] =	vst v63  }
0xc5: {  	_ =	swait.ge @!p1 [sflag:s0], $0x1  }
0xc6: {  	[sflag:s0] =	ssyncset.done @!p1 $0x0  }
0xc7: {  	[sflag:s0] =	ssyncadd.s32 @!p1 $0xFFFFFFFF;
	(ifvalue) =	ssetifvalue $0xFFFFFFFF;
	v3 =	vld [tilespmem:s25+$0x10];
	_ =	sdelay $0x3  }
.Ltmp6:
0xc8: {  	_ = 	snop;
	(pc) =	sbr.rel .LBB2_9-.Ltmp6, $3  }
0xc9: {  	_ =	sdelay $0x1  }
0xca: {  	(ifvalue) =	ssetifvalue $0xFFFFFFFF  }
0xcb: {  	[hbm4b:s1+s16] =	stream.indirect_vreg.scatter [tilespmem:s26], [sflag:$0x9], $0x1, v3, vm0, $0x4038;
	[tilespmem:$0x11A60] =	vst v63  }
.LBB2_10:
0xcc: {  	_ =	sfence.sel $0x180000  }
0xcd: {  	s0 =	simm.s32 $0x7;
	[bflag:$0x0] =	sbarrier.arrive $0xFFFF  }
0xce: {  	s26 =	simm.s32 $0x8;
	[sflag:s0] =	ssyncpa.u1 $0x1  }
0xcf: {  	s28 =	simm.s32 $0x9;
	[sflag:s26] =	ssyncpa.u1 $0x1  }
0xd0: {  	[sflag:s28] =	ssyncpa.u1 $0x1  }
0xd1: {  	_ =	sfence.stream.spmem  }
0xd2: {  	s29 =	simm.s32 $0x3;
	[bflag:$0x0] =	sbarrier.arrive $0xFFFF  }
0xd3: {  	s30 =	simm.s32 $0x4;
	[sflag:s29] =	ssyncpa.u1 $0x1  }
0xd4: {  	s31 =	simm.s32 $0x3C;
	s2 =	stileid.u32;
	[sflag:s30] =	ssyncpa.u1 $0x1  }
0xd5: {  	p0 =	sne.s32 s2, $0x0;
	[sflag:s31] =	ssyncpa.u1 $0x1  }
0xd6: {  	s0 =	simm.s32 @p0 $0x1;
	_ =	sfence @p0  }
0xd7: {  	[sflag:s0] =	ssyncpa.u1 @p0 $0x1;
	s0 =	simm.s32 @p0 $0x2  }
0xd8: {  	[sflag:s0] =	ssyncpa.u1 @p0 $0x1  }
0xd9: {  	_ =	strace @p0 $0x9000004A  }
0xda: {  	[bflag:$0x2] =	sbarrier.arrive @p0 $0xFFFF  }
0xdb: {  	_ =	shalt @p0  }
.LBB2_11:
0xdc: {  	_ =	sfence.stream.spmem;
	s0 =	simm.s32 $0x5  }
0xdd: {  	s2 =	simm.s32 $0x80;
	s3 =	simm.s32 $0xC0;
	[sflag:s0] =	ssyncpa.u1 $0x0  }
0xde: {  	[tilespmem:s3], [sflag:$0x5] =	stream.linear.gather [spmem:s2], $0x20, $0x38;
	[tilespmem:$0x11A60] =	vst v63  }
0xdf: {  	s2 =	simm.s32 $0x0;
	s3 =	simm.s32 $0xE0  }
0xe0: {  	[tilespmem:s3], [sflag:$0x5] =	stream.linear.gather [spmem:s2], $0x20, $0x38;
	[tilespmem:$0x11A60] =	vst v63  }
.Ltmp7:
0xe1: {  	_ = 	snop;
	(pc) =	sbr.rel .LBB2_12-.Ltmp7, $4  }
0xe2: {  	_ =	swait.ge [sflag:s0], $0x40  }
0xe3: {  	[sflag:s0] =	ssyncset.done $0x0  }
0xe4: {  	s31 =	simm.s32 $0x6;
	[sflag:s0] =	ssyncadd.s32 $0xFFFFFFC0  }
0xe5: {  	s4 =	simm.s32 $0x0;
	[sflag:s31] =	ssyncpa.u1 $0x0  }
.LBB2_17:
0xe6: {  	p0 =	sgt.u32 s5, $0x187FF  }
0xe7: {  	s0 =	sshrl.u32 @!p0 s5, $0x3  }
0xe8: {  	s5 =	sand.u32 @!p0 $0x7, s5;
	s6 =	simm.s32 @!p0 $0xB0;
	s0 =	sadd.s32 @!p0 s1, s0  }
0xe9: {  	[tilespmem:s6], [sflag:$0x6] =	stream.linear.gather @!p0 [hbm4b:s0+s5], $0x1, $0x38;
	[tilespmem:$0x11A60] =	vst v63  }
0xea: {  	s0 =	simm.s32 @!p0 $0x6  }
0xeb: {  	_ =	swait.ge @!p0 [sflag:s0], $0x1  }
0xec: {  	[sflag:s0] =	ssyncset.done @!p0 $0x0  }
0xed: {  	[sflag:s0] =	ssyncadd.s32 @!p0 $0xFFFFFFFF  }
0xee: {  	v2 =	vmov @!p0 s4;
	v1 =	vld.msk @!p0 [tilespmem:$0xB0], $0x1;
	_ =	sdelay $0x3  }
0xef: {  	s0 =	simm.s32 @!p0 $0xE0  }
0xf0: {  	[tilespmem:v2+s0+$0x0], v1 =	vst.idx.ret.add.f32.msk @!p0 $0x1, v1  }
0xf1: {  	[tilespmem:s2+$0xC0] =	vst.msk $0x1, v0  }
0xf2: {  	v0 =	vld.msk [tilespmem:s4+$0xE0], $0x1;
	_ =	sdelay $0x4  }
0xf3: {  	[tilespmem:s2+$0xE0] =	vst.msk $0x1, v0;
	s2 =	sadd.s32 $0x1, s2  }
.LBB2_19:
0xf4: {  	s4 =	sadd.s32 $0x1, s4  }
0xf5: {  	p0 =	sne.s32 s4, $0x20  }
.Ltmp8:
0xf6: {  	_ = 	snop;
	(pc) =	sbr.rel @!p0 .LBB2_20-.Ltmp8, $1  }
0xf7: {  	_ =	sdelay $0x3  }
.LBB2_12:
0xf8: {  	v0 =	vld.msk [tilespmem:s4+$0xC0], $0x1;
	_ =	sdelay $0x4  }
0xf9: {  	(v2sf) =	vpush v0, $0x0;
	_ =	sdelay $0xe  }
0xfa: {  	s5 =	spop (v2sf)  }
0xfb: {  	p0 =	seq.s32 s5, $0xFFFFFFFF  }
.Ltmp9:
0xfc: {  	_ = 	snop;
	(pc) =	sbr.rel @p0 .LBB2_19-.Ltmp9, $1  }
0xfd: {  	_ =	sdelay $0x3  }
0xfe: {  	p0 =	slt.s32 s2, $0x1  }
.Ltmp10:
0xff: {  	_ = 	snop;
	(pc) =	sbr.rel @p0 .LBB2_17-.Ltmp10, $1  }
0x100: {  	_ =	sdelay $0x3  }
0x101: {  	s0 =	simm.s32 $0xC0;
	p0 =	por $0x0, $0x0  }
0x102: {  	v1 =	vld.msk @!p0 [tilespmem:s0+$0x0], $0x1;
	_ =	sdelay $0x4  }
0x103: {  	(v2sf) =	vpush @!p0 v1, $0x0;
	_ =	sdelay $0xd  }
0x104: {  	p2 =	sne.s32 s2, $0x1  }
.Ltmp11:
0x105: {  	s6 =	spop @!p0 (v2sf);
	(pc) =	sbr.rel @!p2 .LBB2_16-.Ltmp11, $4  }
0x106: {  	p1 =	seq.s32 @!p0 s5, s6  }
0x107: {  	s6 =	simm.s32 $0x0;
	p1 =	por !p1, p0  }
0x108: {  	s8 =	simm.s32 $0xFFFFFFFF;
	s6 =	simm.s32 @p1 $0xFFFFFFFF  }
0x109: {  	s7 =	simm.s32 $0x1;
	s6 =	smov.u32 @p0 s8  }
.LBB2_15:
0x10a: {  	s8 =	smov.u32 s6;
	p0 =	sne.s32 s6, $0xFFFFFFFF  }
0x10b: {  	s0 =	sadd.s32 $0x1, s0;
	s6 =	smov.u32 s7;
	s7 =	sadd.s32 $0x1, s7  }
0x10c: {  	p1 =	sne.s32 s2, s7;
	v1 =	vld.msk @!p0 [tilespmem:s0+$0x0], $0x1;
	_ =	sdelay $0x4  }
0x10d: {  	(v2sf) =	vpush @!p0 v1, $0x0;
	_ =	sdelay $0xe  }
.Ltmp12:
0x10e: {  	s9 =	spop @!p0 (v2sf);
	(pc) =	sbr.rel @p1 .LBB2_15-.Ltmp12, $4  }
0x10f: {  	p2 =	seq.s32 @!p0 s5, s9  }
0x110: {  	p2 =	por !p2, p0  }
0x111: {  	s6 =	simm.s32 @p2 $0xFFFFFFFF  }
0x112: {  	s6 =	smov.u32 @p0 s8  }
.LBB2_16:
0x113: {  	p0 =	sne.s32 s6, $0xFFFFFFFF  }
.Ltmp13:
0x114: {  	_ = 	snop;
	(pc) =	sbr.rel @!p0 .LBB2_17-.Ltmp13, $1  }
0x115: {  	_ =	sdelay $0x3  }
0x116: {  	v0 =	vld.msk [tilespmem:s4+$0xE0], $0x1;
	v1 =	vmov s6  }
.Ltmp14:
0x117: {  	_ = 	snop;
	(pc) =	sbr.rel .LBB2_19-.Ltmp14, $2  }
0x118: {  	_ =	sdelay $0x2  }
0x119: {  	[tilespmem:v1+s3+$0x0], v0 =	vst.idx.ret.add.f32.msk $0x1, v0  }
.LBB2_20:
0x11a: {  	p0 =	slt.s32 s2, $0x1  }
.Ltmp15:
0x11b: {  	_ = 	snop;
	(pc) =	sbr.rel @p0 .LBB2_24-.Ltmp15, $3  }
0x11c: {  	_ =	sdelay $0x1  }
0x11d: {  	s0 =	simm.s32 $0x6  }
0x11e: {  	s3 =	simm.s32 $0x0;
	[sflag:s0] =	ssyncpa.u1 $0x1  }
0x11f: {  	s0 =	simm.s32 $0xC0  }
0x120: {  	v0 =	vld.msk [tilespmem:s0+$0x0], $0x1;
	_ =	sdelay $0x4  }
0x121: {  	(v2sf) =	vpush v0, $0x0;
	_ =	sdelay $0xe  }
0x122: {  	s2 =	sadd.s32 $0xFFFFFFFF, s2;
	s4 =	spop (v2sf)  }
0x123: {  	p1 =	sne.s32 s2, $0x0;
	p0 =	sgt.u32 s4, $0x187FF  }
.Ltmp16:
0x124: {  	s5 =	sshrl.u32 @!p0 s4, $0x3;
	(pc) =	sbr.rel @!p1 .LBB2_23-.Ltmp16, $4  }
0x125: {  	s0 =	simm.s32 $0xE0;
	s4 =	sand.u32 @!p0 $0x7, s4;
	s5 =	sadd.s32 @!p0 s1, s5  }
0x126: {  	[hbm4b:s5+s4] =	stream.linear.scatter @!p0 [tilespmem:s0], [sflag:$0x5], $0x1, $0x38;
	[tilespmem:$0x11A60] =	vst v63  }
0x127: {  	s5 =	simm.s32 $0x0  }
0x128: {  	s4 =	simm.s32 $0xC1;
	s5 =	simm.s32 @!p0 $0x4  }
.LBB2_22:
0x129: {  	v0 =	vld.msk [tilespmem:s4+$0x0], $0x1;
	s2 =	sadd.s32 $0xFFFFFFFF, s2;
	s3 =	sadd.s32 s3, s5  }
0x12a: {  	p0 =	sne.s32 s2, $0x0;
	_ =	sdelay $0x3  }
0x12b: {  	(v2sf) =	vpush v0, $0x0;
	_ =	sdelay $0xe  }
.Ltmp17:
0x12c: {  	s6 =	spop (v2sf);
	(pc) =	sbr.rel @p0 .LBB2_22-.Ltmp17, $4  }
0x12d: {  	s5 =	simm.s32 $0x0;
	p1 =	sgt.u32 s6, $0x187FF  }
0x12e: {  	s0 =	sadd.s32 $0x1, s0;
	s5 =	simm.s32 @!p1 $0x4;
	s7 =	sshrl.u32 @!p1 s6, $0x3  }
0x12f: {  	s4 =	sadd.s32 $0x1, s4;
	s6 =	sand.u32 @!p1 $0x7, s6;
	s7 =	sadd.s32 @!p1 s1, s7  }
0x130: {  	[hbm4b:s7+s6] =	stream.linear.scatter @!p1 [tilespmem:s0], [sflag:$0x5], $0x1, $0x38;
	[tilespmem:$0x11A60] =	vst v63  }
.LBB2_23:
0x131: {  	s0 =	sadd.s32 s3, s5  }
0x132: {  	s3 =	sshrl.u32 s0, $0x2  }
.LBB2_24:
0x133: {  	s0 =	simm.s32 $0x5  }
0x134: {  	_ =	swait.ge [sflag:s0], s3  }
0x135: {  	s1 =	ssub.s32 $0x0, s3;
	[sflag:s0] =	ssyncset.done $0x0  }
0x136: {  	[sflag:s0] =	ssyncadd.s32 s1  }
0x137: {  	[sflag:s0] =	ssyncpa.u1 $0x1  }
0x138: {  	s29 =	simm.s32 $0x1;
	_ =	sfence  }
0x139: {  	s30 =	simm.s32 $0x2;
	[sflag:s29] =	ssyncpa.u1 $0x1  }
0x13a: {  	[sflag:s30] =	ssyncpa.u1 $0x1  }
0x13b: {  	_ =	strace $0x9000004A  }
0x13c: {  	[bflag:$0x2] =	sbarrier.arrive $0xFFFF  }
0x13d: {  	s31 =	rddreg [dreg:$0x1]  }
0x13e: {  	s0 =	sadd.s32 $0x100000, s31  }
0x13f: {  	[sflag:s0] =	ssyncadd.tile.s32 $0x1;
	_ =	shalt  }
.Lfunc_end2:
_tile_overlayer_lowered:
.L_overlay_start_2:
0x140: {  	(tag) =	ssettag $0x2  }
0x141: {  	s0 =	rddreg [dreg:$0x0];
	s2 =	stileid.u32  }
0x142: {  	s1 =	rddreg [dreg:$0x1];
	p0 =	sne.s32 s2, $0x0  }
0x143: {  	s3 =	rddreg [dreg:$0x2];
	[bflag:$0x3] =	sbarrier.arrive $0xFFFF;
	s2 =	simm.s32 @!p0 $0x1C01  }
0x144: {  	[timem:s3], [sflag:s2] =	dma.local @!p0 [hbm:s0], s1  }
0x145: {  	s0 =	simm.s32 @!p0 $0x1  }
0x146: {  	_ =	swait.ge @!p0 [sflag:s0], s1  }
0x147: {  	s1 =	ssub.s32 @!p0 $0x0, s1;
	[sflag:s0] =	ssyncset.done @!p0 $0x0  }
0x148: {  	[sflag:s0] =	ssyncadd.s32 @!p0 s1  }
0x149: {  	[bflag:$0x3] =	sbarrier.arrive $0xFFFF  }
0x14a: {  	_ =	shalt  }

</sc_bundles>
